<compile_context>
chip_gen: v7x
topology: tpu7x:2x2x1
jax: 0.10.2.dev20260603
libtpu: 0.0.44.dev20260713+nightly
codegen_flags: <defaults>
</compile_context>

<pallas_src>
import functools

import jax
import jax.numpy as jnp
from jax import lax
from jax.experimental import pallas as pl
from jax.experimental.pallas import tpu as pltpu
from jax.experimental.pallas import tpu_sc as plsc

NC = 2
NS = 16
NW = NC * NS
ROWS_PER_BUF = 4
SPLIT = (104, 96)


@functools.lru_cache(maxsize=None)
def _make_gather(V, D, Bt, H):
    assert Bt % (NW * ROWS_PER_BUF) == 0 and sum(SPLIT) == H
    r_per_w = Bt // NW
    mesh = plsc.VectorSubcoreMesh(core_axis_name="c", subcore_axis_name="s")

    @functools.partial(
        pl.kernel,
        out_type=jax.ShapeDtypeStruct((Bt, H, D), jnp.float32),
        mesh=mesh,
        scratch_types=[
            pltpu.VMEM((r_per_w, H), jnp.int32),
            pltpu.VMEM((ROWS_PER_BUF, H, D), jnp.float32),
            pltpu.VMEM((ROWS_PER_BUF, H, D), jnp.float32),
            pltpu.SemaphoreType.DMA,
            pltpu.SemaphoreType.DMA,
            pltpu.SemaphoreType.DMA,
            pltpu.SemaphoreType.DMA,
        ],
        compiler_params=pltpu.CompilerParams(use_tc_tiling_on_sc=False),
    )
    def gather_kernel(table_hbm, x_hbm, out_hbm, idx_v, rows0, rows1,
                      gsem0, gsem1, ssem0, ssem1):
        wid = lax.axis_index("s") * NC + lax.axis_index("c")
        base = wid * r_per_w
        pltpu.sync_copy(x_hbm.at[pl.ds(base, r_per_w)], idx_v)

        def fire_gathers(i, rows, gsem):
            cps = []
            for r in range(ROWS_PER_BUF):
                off = 0
                for w in SPLIT:
                    cps.append(pltpu.async_copy(
                        table_hbm.at[idx_v.at[i + r, pl.ds(off, w)]],
                        rows.at[r, pl.ds(off, w)], gsem))
                    off += w
            return cps

        @pl.loop(0, r_per_w, step=2 * ROWS_PER_BUF)
        def _(i):
            g0 = fire_gathers(i, rows0, gsem0)
            g1 = fire_gathers(i + ROWS_PER_BUF, rows1, gsem1)
            for cp in g0:
                cp.wait()
            s0 = pltpu.async_copy(
                rows0, out_hbm.at[pl.ds(base + i, ROWS_PER_BUF)], ssem0)
            for cp in g1:
                cp.wait()
            s1 = pltpu.async_copy(
                rows1,
                out_hbm.at[pl.ds(base + i + ROWS_PER_BUF, ROWS_PER_BUF)],
                ssem1)
            s0.wait()
            s1.wait()

    return gather_kernel


def kernel(x, pe_weight):
    Bt, H = x.shape
    V, D = pe_weight.shape
    return _make_gather(V, D, Bt, H)(pe_weight, x.astype(jnp.int32))

# --- scband reference (transcript-rebuilt; emitter-appended) ---
"""Pipeline reference for scband-linear-positional-embedding-6579889897780 (READ-ONLY COPY).

The authoritative reference and input builder live on the scoring server;
editing this copy changes nothing except your own understanding.
"""

import jax, jax.numpy as jnp
import numpy as np

VOCAB = 1000000
D_MODEL = 64
BATCH = 4096
HIST = 200

def setup_inputs(seed: int = 0) -> dict:
    key = jax.random.key(seed)
    k1, k2 = jax.random.split(key)
    x = jax.random.randint(k1, (BATCH, HIST), 0, VOCAB, dtype=jnp.int64 if jax.config.jax_enable_x64 else jnp.int32)
    pe_weight = jax.random.normal(k2, (VOCAB, D_MODEL), dtype=jnp.float32)
    return {"x": x, "pe_weight": pe_weight}

def reference(x, pe_weight):
    # forward: return self.pe(x)  (dropout defined but never applied in forward)
    return jnp.take(pe_weight, x, axis=0)

if __name__ == "__main__":
    import jax
    _d = setup_inputs()
    print(jax.jit(kernel)(*tuple(_d.values())))

</pallas_src>

<mosaic_0001>
#map = affine_map<(d0, d1) -> (0, 0)>
#map1 = affine_map<(d0, d1) -> (0, 0, 0)>
module attributes {stable_mosaic.version = 14 : i64} {
  func.func @gather_kernel(%arg0: i32, %arg1: i32, %arg2: memref<1000000x64xf32, #tpu.memory_space<hbm>>, %arg3: memref<4096x200xi32, #tpu.memory_space<hbm>>, %arg4: memref<4096x200x64xf32, #tpu.memory_space<hbm>>, %arg5: memref<128x200xi32, #tpu.memory_space<vmem>>, %arg6: memref<4x200x64xf32, #tpu.memory_space<vmem>>, %arg7: memref<4x200x64xf32, #tpu.memory_space<vmem>>, %arg8: memref<!tpu.dma_semaphore, #tpu.memory_space<semaphore_mem>>, %arg9: memref<!tpu.dma_semaphore, #tpu.memory_space<semaphore_mem>>, %arg10: memref<!tpu.dma_semaphore, #tpu.memory_space<semaphore_mem>>, %arg11: memref<!tpu.dma_semaphore, #tpu.memory_space<semaphore_mem>>) attributes {dimension_semantics = [#tpu.dimension_semantics<core_parallel>, #tpu.dimension_semantics<subcore_parallel>], iteration_bounds = array<i64: 2, 16>, scalar_prefetch = 0 : i64, scratch_operands = 7 : i64, tpu.core_type = #tpu.core_type<sc_vector_subcore>, window_params = [{transform_indices = #map}, {transform_indices = #map}, {transform_indices = #map1}]} {
    %mul3A = arith.constant 2 : i32
    %mul3A_0 = arith.muli %arg1, %mul3A : i32
    %add3A = arith.addi %mul3A_0, %arg0 : i32
    %mul3A_1 = arith.constant 128 : i32
    %mul3A_2 = arith.muli %add3A, %mul3A_1 : i32
    "tpu.region"() ({
      %run_scoped3A = tpu.sem_alloc : memref<!tpu.dma_semaphore, #tpu.memory_space<semaphore_mem>>
      %dma_start3A = arith.constant 0 : i32
      %dma_start3A_7 = tpu.memref_slice %arg3[%mul3A_2, %dma_start3A] : memref<4096x200xi32, #tpu.memory_space<hbm>> -> memref<128x200xi32, #tpu.memory_space<hbm>>
      %dma_start3A_8 = arith.constant 0 : i32
      %dma_start3A_9 = tpu.memref_slice %arg3[%mul3A_2, %dma_start3A_8] : memref<4096x200xi32, #tpu.memory_space<hbm>> -> memref<128x200xi32, #tpu.memory_space<hbm>>
      tpu.enqueue_dma source(%dma_start3A_9 : memref<128x200xi32, #tpu.memory_space<hbm>>) target(%arg5 : memref<128x200xi32, #tpu.memory_space<vmem>>) target_semaphore(%run_scoped3A : memref<!tpu.dma_semaphore, #tpu.memory_space<semaphore_mem>>)
      %dma_wait3A = arith.constant 0 : i32
      %dma_wait3A_10 = tpu.memref_slice %arg3[%mul3A_2, %dma_wait3A] : memref<4096x200xi32, #tpu.memory_space<hbm>> -> memref<128x200xi32, #tpu.memory_space<hbm>>
      %dma_wait3A_11 = arith.constant 0 : i32
      %dma_wait3A_12 = tpu.memref_slice %arg3[%mul3A_2, %dma_wait3A_11] : memref<4096x200xi32, #tpu.memory_space<hbm>> -> memref<128x200xi32, #tpu.memory_space<hbm>>
      tpu.wait_dma2 semaphore(%run_scoped3A : memref<!tpu.dma_semaphore, #tpu.memory_space<semaphore_mem>>) src(%dma_wait3A_12 : memref<128x200xi32, #tpu.memory_space<hbm>>) dst(%arg5 : memref<128x200xi32, #tpu.memory_space<vmem>>)
      tpu.yield
    }) : () -> ()
    %scan3A = arith.constant 0 : i32
    %scan3A_3 = arith.constant 16 : i32
    %scan3A_4 = arith.addi %scan3A, %scan3A_3 : i32
    %scan3A_5 = arith.constant 1 : i32
    scf.for %scan3A_7 = %scan3A to %scan3A_4 step %scan3A_5  : i32 {
      %mul3A_8 = arith.constant 8 : i32
      %mul3A_9 = arith.muli %scan3A_7, %mul3A_8 : i32
      %add3A_10 = arith.constant 0 : i32
      %add3A_11 = arith.addi %add3A_10, %mul3A_9 : i32
      %add3A_12 = arith.constant 0 : i32
      %add3A_13 = arith.addi %add3A_11, %add3A_12 : i32
      %dma_start3A = arith.constant 0 : i32
      %dma_start3A_14 = arith.constant 0 : i32
      %dma_start3A_15 = arith.constant 0 : i32
      %dma_start3A_16 = tpu.memref_slice %arg6[%dma_start3A, %dma_start3A_14, %dma_start3A_15] : memref<4x200x64xf32, #tpu.memory_space<vmem>> -> memref<1x104x64xf32, #tpu.memory_space<vmem>>
      %dma_start3A_17 = tpu.memref_squeeze %dma_start3A_16 : memref<1x104x64xf32, #tpu.memory_space<vmem>> -> memref<104x64xf32, #tpu.memory_space<vmem>>
      %dma_start3A_18 = arith.constant 0 : i32
      %dma_start3A_19 = tpu.memref_slice %arg5[%add3A_13, %dma_start3A_18] : memref<128x200xi32, #tpu.memory_space<vmem>> -> memref<1x104xi32, #tpu.memory_space<vmem>>
      %dma_start3A_20 = tpu.memref_squeeze %dma_start3A_19 : memref<1x104xi32, #tpu.memory_space<vmem>> -> memref<104xi32, #tpu.memory_space<vmem>>
      %dma_start3A_21 = arith.constant 0 : i32
      %dma_start3A_22 = arith.constant 0 : i32
      %dma_start3A_23 = tpu.memref_slice %arg2[%dma_start3A_21, %dma_start3A_22] : memref<1000000x64xf32, #tpu.memory_space<hbm>> -> memref<1000000x64xf32, #tpu.memory_space<hbm>>
      tpu.enqueue_indirect_dma source(%dma_start3A_23 : memref<1000000x64xf32, #tpu.memory_space<hbm>>) target(%dma_start3A_17 : memref<104x64xf32, #tpu.memory_space<vmem>>) offsets(%dma_start3A_20 : memref<104xi32, #tpu.memory_space<vmem>>) semaphore(%arg8 : memref<!tpu.dma_semaphore, #tpu.memory_space<semaphore_mem>>)
      %add3A_24 = arith.constant 0 : i32
      %add3A_25 = arith.addi %add3A_11, %add3A_24 : i32
      %dma_start3A_26 = arith.constant 0 : i32
      %dma_start3A_27 = arith.constant 104 : i32
      %dma_start3A_28 = arith.constant 0 : i32
      %dma_start3A_29 = tpu.memref_slice %arg6[%dma_start3A_26, %dma_start3A_27, %dma_start3A_28] : memref<4x200x64xf32, #tpu.memory_space<vmem>> -> memref<1x96x64xf32, #tpu.memory_space<vmem>>
      %dma_start3A_30 = tpu.memref_squeeze %dma_start3A_29 : memref<1x96x64xf32, #tpu.memory_space<vmem>> -> memref<96x64xf32, #tpu.memory_space<vmem>>
      %dma_start3A_31 = arith.constant 104 : i32
      %dma_start3A_32 = tpu.memref_slice %arg5[%add3A_25, %dma_start3A_31] : memref<128x200xi32, #tpu.memory_space<vmem>> -> memref<1x96xi32, #tpu.memory_space<vmem>>
      %dma_start3A_33 = tpu.memref_squeeze %dma_start3A_32 : memref<1x96xi32, #tpu.memory_space<vmem>> -> memref<96xi32, #tpu.memory_space<vmem>>
      %dma_start3A_34 = arith.constant 0 : i32
      %dma_start3A_35 = arith.constant 0 : i32
      %dma_start3A_36 = tpu.memref_slice %arg2[%dma_start3A_34, %dma_start3A_35] : memref<1000000x64xf32, #tpu.memory_space<hbm>> -> memref<1000000x64xf32, #tpu.memory_space<hbm>>
      tpu.enqueue_indirect_dma source(%dma_start3A_36 : memref<1000000x64xf32, #tpu.memory_space<hbm>>) target(%dma_start3A_30 : memref<96x64xf32, #tpu.memory_space<vmem>>) offsets(%dma_start3A_33 : memref<96xi32, #tpu.memory_space<vmem>>) semaphore(%arg8 : memref<!tpu.dma_semaphore, #tpu.memory_space<semaphore_mem>>)
      %add3A_37 = arith.constant 1 : i32
      %add3A_38 = arith.addi %add3A_11, %add3A_37 : i32
      %dma_start3A_39 = arith.constant 1 : i32
      %dma_start3A_40 = arith.constant 0 : i32
      %dma_start3A_41 = arith.constant 0 : i32
      %dma_start3A_42 = tpu.memref_slice %arg6[%dma_start3A_39, %dma_start3A_40, %dma_start3A_41] : memref<4x200x64xf32, #tpu.memory_space<vmem>> -> memref<1x104x64xf32, #tpu.memory_space<vmem>>
      %dma_start3A_43 = tpu.memref_squeeze %dma_start3A_42 : memref<1x104x64xf32, #tpu.memory_space<vmem>> -> memref<104x64xf32, #tpu.memory_space<vmem>>
      %dma_start3A_44 = arith.constant 0 : i32
      %dma_start3A_45 = tpu.memref_slice %arg5[%add3A_38, %dma_start3A_44] : memref<128x200xi32, #tpu.memory_space<vmem>> -> memref<1x104xi32, #tpu.memory_space<vmem>>
      %dma_start3A_46 = tpu.memref_squeeze %dma_start3A_45 : memref<1x104xi32, #tpu.memory_space<vmem>> -> memref<104xi32, #tpu.memory_space<vmem>>
      %dma_start3A_47 = arith.constant 0 : i32
      %dma_start3A_48 = arith.constant 0 : i32
      %dma_start3A_49 = tpu.memref_slice %arg2[%dma_start3A_47, %dma_start3A_48] : memref<1000000x64xf32, #tpu.memory_space<hbm>> -> memref<1000000x64xf32, #tpu.memory_space<hbm>>
      tpu.enqueue_indirect_dma source(%dma_start3A_49 : memref<1000000x64xf32, #tpu.memory_space<hbm>>) target(%dma_start3A_43 : memref<104x64xf32, #tpu.memory_space<vmem>>) offsets(%dma_start3A_46 : memref<104xi32, #tpu.memory_space<vmem>>) semaphore(%arg8 : memref<!tpu.dma_semaphore, #tpu.memory_space<semaphore_mem>>)
      %add3A_50 = arith.constant 1 : i32
      %add3A_51 = arith.addi %add3A_11, %add3A_50 : i32
      %dma_start3A_52 = arith.constant 1 : i32
      %dma_start3A_53 = arith.constant 104 : i32
      %dma_start3A_54 = arith.constant 0 : i32
      %dma_start3A_55 = tpu.memref_slice %arg6[%dma_start3A_52, %dma_start3A_53, %dma_start3A_54] : memref<4x200x64xf32, #tpu.memory_space<vmem>> -> memref<1x96x64xf32, #tpu.memory_space<vmem>>
      %dma_start3A_56 = tpu.memref_squeeze %dma_start3A_55 : memref<1x96x64xf32, #tpu.memory_space<vmem>> -> memref<96x64xf32, #tpu.memory_space<vmem>>
      %dma_start3A_57 = arith.constant 104 : i32
      %dma_start3A_58 = tpu.memref_slice %arg5[%add3A_51, %dma_start3A_57] : memref<128x200xi32, #tpu.memory_space<vmem>> -> memref<1x96xi32, #tpu.memory_space<vmem>>
      %dma_start3A_59 = tpu.memref_squeeze %dma_start3A_58 : memref<1x96xi32, #tpu.memory_space<vmem>> -> memref<96xi32, #tpu.memory_space<vmem>>
      %dma_start3A_60 = arith.constant 0 : i32
      %dma_start3A_61 = arith.constant 0 : i32
      %dma_start3A_62 = tpu.memref_slice %arg2[%dma_start3A_60, %dma_start3A_61] : memref<1000000x64xf32, #tpu.memory_space<hbm>> -> memref<1000000x64xf32, #tpu.memory_space<hbm>>
      tpu.enqueue_indirect_dma source(%dma_start3A_62 : memref<1000000x64xf32, #tpu.memory_space<hbm>>) target(%dma_start3A_56 : memref<96x64xf32, #tpu.memory_space<vmem>>) offsets(%dma_start3A_59 : memref<96xi32, #tpu.memory_space<vmem>>) semaphore(%arg8 : memref<!tpu.dma_semaphore, #tpu.memory_space<semaphore_mem>>)
      %add3A_63 = arith.constant 2 : i32
      %add3A_64 = arith.addi %add3A_11, %add3A_63 : i32
      %dma_start3A_65 = arith.constant 2 : i32
      %dma_start3A_66 = arith.constant 0 : i32
      %dma_start3A_67 = arith.constant 0 : i32
      %dma_start3A_68 = tpu.memref_slice %arg6[%dma_start3A_65, %dma_start3A_66, %dma_start3A_67] : memref<4x200x64xf32, #tpu.memory_space<vmem>> -> memref<1x104x64xf32, #tpu.memory_space<vmem>>
      %dma_start3A_69 = tpu.memref_squeeze %dma_start3A_68 : memref<1x104x64xf32, #tpu.memory_space<vmem>> -> memref<104x64xf32, #tpu.memory_space<vmem>>
      %dma_start3A_70 = arith.constant 0 : i32
      %dma_start3A_71 = tpu.memref_slice %arg5[%add3A_64, %dma_start3A_70] : memref<128x200xi32, #tpu.memory_space<vmem>> -> memref<1x104xi32, #tpu.memory_space<vmem>>
      %dma_start3A_72 = tpu.memref_squeeze %dma_start3A_71 : memref<1x104xi32, #tpu.memory_space<vmem>> -> memref<104xi32, #tpu.memory_space<vmem>>
      %dma_start3A_73 = arith.constant 0 : i32
      %dma_start3A_74 = arith.constant 0 : i32
      %dma_start3A_75 = tpu.memref_slice %arg2[%dma_start3A_73, %dma_start3A_74] : memref<1000000x64xf32, #tpu.memory_space<hbm>> -> memref<1000000x64xf32, #tpu.memory_space<hbm>>
      tpu.enqueue_indirect_dma source(%dma_start3A_75 : memref<1000000x64xf32, #tpu.memory_space<hbm>>) target(%dma_start3A_69 : memref<104x64xf32, #tpu.memory_space<vmem>>) offsets(%dma_start3A_72 : memref<104xi32, #tpu.memory_space<vmem>>) semaphore(%arg8 : memref<!tpu.dma_semaphore, #tpu.memory_space<semaphore_mem>>)
      %add3A_76 = arith.constant 2 : i32
      %add3A_77 = arith.addi %add3A_11, %add3A_76 : i32
      %dma_start3A_78 = arith.constant 2 : i32
      %dma_start3A_79 = arith.constant 104 : i32
      %dma_start3A_80 = arith.constant 0 : i32
      %dma_start3A_81 = tpu.memref_slice %arg6[%dma_start3A_78, %dma_start3A_79, %dma_start3A_80] : memref<4x200x64xf32, #tpu.memory_space<vmem>> -> memref<1x96x64xf32, #tpu.memory_space<vmem>>
      %dma_start3A_82 = tpu.memref_squeeze %dma_start3A_81 : memref<1x96x64xf32, #tpu.memory_space<vmem>> -> memref<96x64xf32, #tpu.memory_space<vmem>>
      %dma_start3A_83 = arith.constant 104 : i32
      %dma_start3A_84 = tpu.memref_slice %arg5[%add3A_77, %dma_start3A_83] : memref<128x200xi32, #tpu.memory_space<vmem>> -> memref<1x96xi32, #tpu.memory_space<vmem>>
      %dma_start3A_85 = tpu.memref_squeeze %dma_start3A_84 : memref<1x96xi32, #tpu.memory_space<vmem>> -> memref<96xi32, #tpu.memory_space<vmem>>
      %dma_start3A_86 = arith.constant 0 : i32
      %dma_start3A_87 = arith.constant 0 : i32
      %dma_start3A_88 = tpu.memref_slice %arg2[%dma_start3A_86, %dma_start3A_87] : memref<1000000x64xf32, #tpu.memory_space<hbm>> -> memref<1000000x64xf32, #tpu.memory_space<hbm>>
      tpu.enqueue_indirect_dma source(%dma_start3A_88 : memref<1000000x64xf32, #tpu.memory_space<hbm>>) target(%dma_start3A_82 : memref<96x64xf32, #tpu.memory_space<vmem>>) offsets(%dma_start3A_85 : memref<96xi32, #tpu.memory_space<vmem>>) semaphore(%arg8 : memref<!tpu.dma_semaphore, #tpu.memory_space<semaphore_mem>>)
      %add3A_89 = arith.constant 3 : i32
      %add3A_90 = arith.addi %add3A_11, %add3A_89 : i32
      %dma_start3A_91 = arith.constant 3 : i32
      %dma_start3A_92 = arith.constant 0 : i32
      %dma_start3A_93 = arith.constant 0 : i32
      %dma_start3A_94 = tpu.memref_slice %arg6[%dma_start3A_91, %dma_start3A_92, %dma_start3A_93] : memref<4x200x64xf32, #tpu.memory_space<vmem>> -> memref<1x104x64xf32, #tpu.memory_space<vmem>>
      %dma_start3A_95 = tpu.memref_squeeze %dma_start3A_94 : memref<1x104x64xf32, #tpu.memory_space<vmem>> -> memref<104x64xf32, #tpu.memory_space<vmem>>
      %dma_start3A_96 = arith.constant 0 : i32
      %dma_start3A_97 = tpu.memref_slice %arg5[%add3A_90, %dma_start3A_96] : memref<128x200xi32, #tpu.memory_space<vmem>> -> memref<1x104xi32, #tpu.memory_space<vmem>>
      %dma_start3A_98 = tpu.memref_squeeze %dma_start3A_97 : memref<1x104xi32, #tpu.memory_space<vmem>> -> memref<104xi32, #tpu.memory_space<vmem>>
      %dma_start3A_99 = arith.constant 0 : i32
      %dma_start3A_100 = arith.constant 0 : i32
      %dma_start3A_101 = tpu.memref_slice %arg2[%dma_start3A_99, %dma_start3A_100] : memref<1000000x64xf32, #tpu.memory_space<hbm>> -> memref<1000000x64xf32, #tpu.memory_space<hbm>>
      tpu.enqueue_indirect_dma source(%dma_start3A_101 : memref<1000000x64xf32, #tpu.memory_space<hbm>>) target(%dma_start3A_95 : memref<104x64xf32, #tpu.memory_space<vmem>>) offsets(%dma_start3A_98 : memref<104xi32, #tpu.memory_space<vmem>>) semaphore(%arg8 : memref<!tpu.dma_semaphore, #tpu.memory_space<semaphore_mem>>)
      %add3A_102 = arith.constant 3 : i32
      %add3A_103 = arith.addi %add3A_11, %add3A_102 : i32
      %dma_start3A_104 = arith.constant 3 : i32
      %dma_start3A_105 = arith.constant 104 : i32
      %dma_start3A_106 = arith.constant 0 : i32
      %dma_start3A_107 = tpu.memref_slice %arg6[%dma_start3A_104, %dma_start3A_105, %dma_start3A_106] : memref<4x200x64xf32, #tpu.memory_space<vmem>> -> memref<1x96x64xf32, #tpu.memory_space<vmem>>
      %dma_start3A_108 = tpu.memref_squeeze %dma_start3A_107 : memref<1x96x64xf32, #tpu.memory_space<vmem>> -> memref<96x64xf32, #tpu.memory_space<vmem>>
      %dma_start3A_109 = arith.constant 104 : i32
      %dma_start3A_110 = tpu.memref_slice %arg5[%add3A_103, %dma_start3A_109] : memref<128x200xi32, #tpu.memory_space<vmem>> -> memref<1x96xi32, #tpu.memory_space<vmem>>
      %dma_start3A_111 = tpu.memref_squeeze %dma_start3A_110 : memref<1x96xi32, #tpu.memory_space<vmem>> -> memref<96xi32, #tpu.memory_space<vmem>>
      %dma_start3A_112 = arith.constant 0 : i32
      %dma_start3A_113 = arith.constant 0 : i32
      %dma_start3A_114 = tpu.memref_slice %arg2[%dma_start3A_112, %dma_start3A_113] : memref<1000000x64xf32, #tpu.memory_space<hbm>> -> memref<1000000x64xf32, #tpu.memory_space<hbm>>
      tpu.enqueue_indirect_dma source(%dma_start3A_114 : memref<1000000x64xf32, #tpu.memory_space<hbm>>) target(%dma_start3A_108 : memref<96x64xf32, #tpu.memory_space<vmem>>) offsets(%dma_start3A_111 : memref<96xi32, #tpu.memory_space<vmem>>) semaphore(%arg8 : memref<!tpu.dma_semaphore, #tpu.memory_space<semaphore_mem>>)
      %add3A_115 = arith.constant 4 : i32
      %add3A_116 = arith.addi %add3A_11, %add3A_115 : i32
      %add3A_117 = arith.constant 0 : i32
      %add3A_118 = arith.addi %add3A_116, %add3A_117 : i32
      %dma_start3A_119 = arith.constant 0 : i32
      %dma_start3A_120 = arith.constant 0 : i32
      %dma_start3A_121 = arith.constant 0 : i32
      %dma_start3A_122 = tpu.memref_slice %arg7[%dma_start3A_119, %dma_start3A_120, %dma_start3A_121] : memref<4x200x64xf32, #tpu.memory_space<vmem>> -> memref<1x104x64xf32, #tpu.memory_space<vmem>>
      %dma_start3A_123 = tpu.memref_squeeze %dma_start3A_122 : memref<1x104x64xf32, #tpu.memory_space<vmem>> -> memref<104x64xf32, #tpu.memory_space<vmem>>
      %dma_start3A_124 = arith.constant 0 : i32
      %dma_start3A_125 = tpu.memref_slice %arg5[%add3A_118, %dma_start3A_124] : memref<128x200xi32, #tpu.memory_space<vmem>> -> memref<1x104xi32, #tpu.memory_space<vmem>>
      %dma_start3A_126 = tpu.memref_squeeze %dma_start3A_125 : memref<1x104xi32, #tpu.memory_space<vmem>> -> memref<104xi32, #tpu.memory_space<vmem>>
      %dma_start3A_127 = arith.constant 0 : i32
      %dma_start3A_128 = arith.constant 0 : i32
      %dma_start3A_129 = tpu.memref_slice %arg2[%dma_start3A_127, %dma_start3A_128] : memref<1000000x64xf32, #tpu.memory_space<hbm>> -> memref<1000000x64xf32, #tpu.memory_space<hbm>>
      tpu.enqueue_indirect_dma source(%dma_start3A_129 : memref<1000000x64xf32, #tpu.memory_space<hbm>>) target(%dma_start3A_123 : memref<104x64xf32, #tpu.memory_space<vmem>>) offsets(%dma_start3A_126 : memref<104xi32, #tpu.memory_space<vmem>>) semaphore(%arg9 : memref<!tpu.dma_semaphore, #tpu.memory_space<semaphore_mem>>)
      %add3A_130 = arith.constant 0 : i32
      %add3A_131 = arith.addi %add3A_116, %add3A_130 : i32
      %dma_start3A_132 = arith.constant 0 : i32
      %dma_start3A_133 = arith.constant 104 : i32
      %dma_start3A_134 = arith.constant 0 : i32
      %dma_start3A_135 = tpu.memref_slice %arg7[%dma_start3A_132, %dma_start3A_133, %dma_start3A_134] : memref<4x200x64xf32, #tpu.memory_space<vmem>> -> memref<1x96x64xf32, #tpu.memory_space<vmem>>
      %dma_start3A_136 = tpu.memref_squeeze %dma_start3A_135 : memref<1x96x64xf32, #tpu.memory_space<vmem>> -> memref<96x64xf32, #tpu.memory_space<vmem>>
      %dma_start3A_137 = arith.constant 104 : i32
      %dma_start3A_138 = tpu.memref_slice %arg5[%add3A_131, %dma_start3A_137] : memref<128x200xi32, #tpu.memory_space<vmem>> -> memref<1x96xi32, #tpu.memory_space<vmem>>
      %dma_start3A_139 = tpu.memref_squeeze %dma_start3A_138 : memref<1x96xi32, #tpu.memory_space<vmem>> -> memref<96xi32, #tpu.memory_space<vmem>>
      %dma_start3A_140 = arith.constant 0 : i32
      %dma_start3A_141 = arith.constant 0 : i32
      %dma_start3A_142 = tpu.memref_slice %arg2[%dma_start3A_140, %dma_start3A_141] : memref<1000000x64xf32, #tpu.memory_space<hbm>> -> memref<1000000x64xf32, #tpu.memory_space<hbm>>
      tpu.enqueue_indirect_dma source(%dma_start3A_142 : memref<1000000x64xf32, #tpu.memory_space<hbm>>) target(%dma_start3A_136 : memref<96x64xf32, #tpu.memory_space<vmem>>) offsets(%dma_start3A_139 : memref<96xi32, #tpu.memory_space<vmem>>) semaphore(%arg9 : memref<!tpu.dma_semaphore, #tpu.memory_space<semaphore_mem>>)
      %add3A_143 = arith.constant 1 : i32
      %add3A_144 = arith.addi %add3A_116, %add3A_143 : i32
      %dma_start3A_145 = arith.constant 1 : i32
      %dma_start3A_146 = arith.constant 0 : i32
      %dma_start3A_147 = arith.constant 0 : i32
      %dma_start3A_148 = tpu.memref_slice %arg7[%dma_start3A_145, %dma_start3A_146, %dma_start3A_147] : memref<4x200x64xf32, #tpu.memory_space<vmem>> -> memref<1x104x64xf32, #tpu.memory_space<vmem>>
      %dma_start3A_149 = tpu.memref_squeeze %dma_start3A_148 : memref<1x104x64xf32, #tpu.memory_space<vmem>> -> memref<104x64xf32, #tpu.memory_space<vmem>>
      %dma_start3A_150 = arith.constant 0 : i32
      %dma_start3A_151 = tpu.memref_slice %arg5[%add3A_144, %dma_start3A_150] : memref<128x200xi32, #tpu.memory_space<vmem>> -> memref<1x104xi32, #tpu.memory_space<vmem>>
      %dma_start3A_152 = tpu.memref_squeeze %dma_start3A_151 : memref<1x104xi32, #tpu.memory_space<vmem>> -> memref<104xi32, #tpu.memory_space<vmem>>
      %dma_start3A_153 = arith.constant 0 : i32
      %dma_start3A_154 = arith.constant 0 : i32
      %dma_start3A_155 = tpu.memref_slice %arg2[%dma_start3A_153, %dma_start3A_154] : memref<1000000x64xf32, #tpu.memory_space<hbm>> -> memref<1000000x64xf32, #tpu.memory_space<hbm>>
      tpu.enqueue_indirect_dma source(%dma_start3A_155 : memref<1000000x64xf32, #tpu.memory_space<hbm>>) target(%dma_start3A_149 : memref<104x64xf32, #tpu.memory_space<vmem>>) offsets(%dma_start3A_152 : memref<104xi32, #tpu.memory_space<vmem>>) semaphore(%arg9 : memref<!tpu.dma_semaphore, #tpu.memory_space<semaphore_mem>>)
      %add3A_156 = arith.constant 1 : i32
      %add3A_157 = arith.addi %add3A_116, %add3A_156 : i32
      %dma_start3A_158 = arith.constant 1 : i32
      %dma_start3A_159 = arith.constant 104 : i32
      %dma_start3A_160 = arith.constant 0 : i32
      %dma_start3A_161 = tpu.memref_slice %arg7[%dma_start3A_158, %dma_start3A_159, %dma_start3A_160] : memref<4x200x64xf32, #tpu.memory_space<vmem>> -> memref<1x96x64xf32, #tpu.memory_space<vmem>>
      %dma_start3A_162 = tpu.memref_squeeze %dma_start3A_161 : memref<1x96x64xf32, #tpu.memory_space<vmem>> -> memref<96x64xf32, #tpu.memory_space<vmem>>
      %dma_start3A_163 = arith.constant 104 : i32
      %dma_start3A_164 = tpu.memref_slice %arg5[%add3A_157, %dma_start3A_163] : memref<128x200xi32, #tpu.memory_space<vmem>> -> memref<1x96xi32, #tpu.memory_space<vmem>>
      %dma_start3A_165 = tpu.memref_squeeze %dma_start3A_164 : memref<1x96xi32, #tpu.memory_space<vmem>> -> memref<96xi32, #tpu.memory_space<vmem>>
      %dma_start3A_166 = arith.constant 0 : i32
      %dma_start3A_167 = arith.constant 0 : i32
      %dma_start3A_168 = tpu.memref_slice %arg2[%dma_start3A_166, %dma_start3A_167] : memref<1000000x64xf32, #tpu.memory_space<hbm>> -> memref<1000000x64xf32, #tpu.memory_space<hbm>>
      tpu.enqueue_indirect_dma source(%dma_start3A_168 : memref<1000000x64xf32, #tpu.memory_space<hbm>>) target(%dma_start3A_162 : memref<96x64xf32, #tpu.memory_space<vmem>>) offsets(%dma_start3A_165 : memref<96xi32, #tpu.memory_space<vmem>>) semaphore(%arg9 : memref<!tpu.dma_semaphore, #tpu.memory_space<semaphore_mem>>)
      %add3A_169 = arith.constant 2 : i32
      %add3A_170 = arith.addi %add3A_116, %add3A_169 : i32
      %dma_start3A_171 = arith.constant 2 : i32
      %dma_start3A_172 = arith.constant 0 : i32
      %dma_start3A_173 = arith.constant 0 : i32
      %dma_start3A_174 = tpu.memref_slice %arg7[%dma_start3A_171, %dma_start3A_172, %dma_start3A_173] : memref<4x200x64xf32, #tpu.memory_space<vmem>> -> memref<1x104x64xf32, #tpu.memory_space<vmem>>
      %dma_start3A_175 = tpu.memref_squeeze %dma_start3A_174 : memref<1x104x64xf32, #tpu.memory_space<vmem>> -> memref<104x64xf32, #tpu.memory_space<vmem>>
      %dma_start3A_176 = arith.constant 0 : i32
      %dma_start3A_177 = tpu.memref_slice %arg5[%add3A_170, %dma_start3A_176] : memref<128x200xi32, #tpu.memory_space<vmem>> -> memref<1x104xi32, #tpu.memory_space<vmem>>
      %dma_start3A_178 = tpu.memref_squeeze %dma_start3A_177 : memref<1x104xi32, #tpu.memory_space<vmem>> -> memref<104xi32, #tpu.memory_space<vmem>>
      %dma_start3A_179 = arith.constant 0 : i32
      %dma_start3A_180 = arith.constant 0 : i32
      %dma_start3A_181 = tpu.memref_slice %arg2[%dma_start3A_179, %dma_start3A_180] : memref<1000000x64xf32, #tpu.memory_space<hbm>> -> memref<1000000x64xf32, #tpu.memory_space<hbm>>
      tpu.enqueue_indirect_dma source(%dma_start3A_181 : memref<1000000x64xf32, #tpu.memory_space<hbm>>) target(%dma_start3A_175 : memref<104x64xf32, #tpu.memory_space<vmem>>) offsets(%dma_start3A_178 : memref<104xi32, #tpu.memory_space<vmem>>) semaphore(%arg9 : memref<!tpu.dma_semaphore, #tpu.memory_space<semaphore_mem>>)
      %add3A_182 = arith.constant 2 : i32
      %add3A_183 = arith.addi %add3A_116, %add3A_182 : i32
      %dma_start3A_184 = arith.constant 2 : i32
      %dma_start3A_185 = arith.constant 104 : i32
      %dma_start3A_186 = arith.constant 0 : i32
      %dma_start3A_187 = tpu.memref_slice %arg7[%dma_start3A_184, %dma_start3A_185, %dma_start3A_186] : memref<4x200x64xf32, #tpu.memory_space<vmem>> -> memref<1x96x64xf32, #tpu.memory_space<vmem>>
      %dma_start3A_188 = tpu.memref_squeeze %dma_start3A_187 : memref<1x96x64xf32, #tpu.memory_space<vmem>> -> memref<96x64xf32, #tpu.memory_space<vmem>>
      %dma_start3A_189 = arith.constant 104 : i32
      %dma_start3A_190 = tpu.memref_slice %arg5[%add3A_183, %dma_start3A_189] : memref<128x200xi32, #tpu.memory_space<vmem>> -> memref<1x96xi32, #tpu.memory_space<vmem>>
      %dma_start3A_191 = tpu.memref_squeeze %dma_start3A_190 : memref<1x96xi32, #tpu.memory_space<vmem>> -> memref<96xi32, #tpu.memory_space<vmem>>
      %dma_start3A_192 = arith.constant 0 : i32
      %dma_start3A_193 = arith.constant 0 : i32
      %dma_start3A_194 = tpu.memref_slice %arg2[%dma_start3A_192, %dma_start3A_193] : memref<1000000x64xf32, #tpu.memory_space<hbm>> -> memref<1000000x64xf32, #tpu.memory_space<hbm>>
      tpu.enqueue_indirect_dma source(%dma_start3A_194 : memref<1000000x64xf32, #tpu.memory_space<hbm>>) target(%dma_start3A_188 : memref<96x64xf32, #tpu.memory_space<vmem>>) offsets(%dma_start3A_191 : memref<96xi32, #tpu.memory_space<vmem>>) semaphore(%arg9 : memref<!tpu.dma_semaphore, #tpu.memory_space<semaphore_mem>>)
      %add3A_195 = arith.constant 3 : i32
      %add3A_196 = arith.addi %add3A_116, %add3A_195 : i32
      %dma_start3A_197 = arith.constant 3 : i32
      %dma_start3A_198 = arith.constant 0 : i32
      %dma_start3A_199 = arith.constant 0 : i32
      %dma_start3A_200 = tpu.memref_slice %arg7[%dma_start3A_197, %dma_start3A_198, %dma_start3A_199] : memref<4x200x64xf32, #tpu.memory_space<vmem>> -> memref<1x104x64xf32, #tpu.memory_space<vmem>>
      %dma_start3A_201 = tpu.memref_squeeze %dma_start3A_200 : memref<1x104x64xf32, #tpu.memory_space<vmem>> -> memref<104x64xf32, #tpu.memory_space<vmem>>
      %dma_start3A_202 = arith.constant 0 : i32
      %dma_start3A_203 = tpu.memref_slice %arg5[%add3A_196, %dma_start3A_202] : memref<128x200xi32, #tpu.memory_space<vmem>> -> memref<1x104xi32, #tpu.memory_space<vmem>>
      %dma_start3A_204 = tpu.memref_squeeze %dma_start3A_203 : memref<1x104xi32, #tpu.memory_space<vmem>> -> memref<104xi32, #tpu.memory_space<vmem>>
      %dma_start3A_205 = arith.constant 0 : i32
      %dma_start3A_206 = arith.constant 0 : i32
      %dma_start3A_207 = tpu.memref_slice %arg2[%dma_start3A_205, %dma_start3A_206] : memref<1000000x64xf32, #tpu.memory_space<hbm>> -> memref<1000000x64xf32, #tpu.memory_space<hbm>>
      tpu.enqueue_indirect_dma source(%dma_start3A_207 : memref<1000000x64xf32, #tpu.memory_space<hbm>>) target(%dma_start3A_201 : memref<104x64xf32, #tpu.memory_space<vmem>>) offsets(%dma_start3A_204 : memref<104xi32, #tpu.memory_space<vmem>>) semaphore(%arg9 : memref<!tpu.dma_semaphore, #tpu.memory_space<semaphore_mem>>)
      %add3A_208 = arith.constant 3 : i32
      %add3A_209 = arith.addi %add3A_116, %add3A_208 : i32
      %dma_start3A_210 = arith.constant 3 : i32
      %dma_start3A_211 = arith.constant 104 : i32
      %dma_start3A_212 = arith.constant 0 : i32
      %dma_start3A_213 = tpu.memref_slice %arg7[%dma_start3A_210, %dma_start3A_211, %dma_start3A_212] : memref<4x200x64xf32, #tpu.memory_space<vmem>> -> memref<1x96x64xf32, #tpu.memory_space<vmem>>
      %dma_start3A_214 = tpu.memref_squeeze %dma_start3A_213 : memref<1x96x64xf32, #tpu.memory_space<vmem>> -> memref<96x64xf32, #tpu.memory_space<vmem>>
      %dma_start3A_215 = arith.constant 104 : i32
      %dma_start3A_216 = tpu.memref_slice %arg5[%add3A_209, %dma_start3A_215] : memref<128x200xi32, #tpu.memory_space<vmem>> -> memref<1x96xi32, #tpu.memory_space<vmem>>
      %dma_start3A_217 = tpu.memref_squeeze %dma_start3A_216 : memref<1x96xi32, #tpu.memory_space<vmem>> -> memref<96xi32, #tpu.memory_space<vmem>>
      %dma_start3A_218 = arith.constant 0 : i32
      %dma_start3A_219 = arith.constant 0 : i32
      %dma_start3A_220 = tpu.memref_slice %arg2[%dma_start3A_218, %dma_start3A_219] : memref<1000000x64xf32, #tpu.memory_space<hbm>> -> memref<1000000x64xf32, #tpu.memory_space<hbm>>
      tpu.enqueue_indirect_dma source(%dma_start3A_220 : memref<1000000x64xf32, #tpu.memory_space<hbm>>) target(%dma_start3A_214 : memref<96x64xf32, #tpu.memory_space<vmem>>) offsets(%dma_start3A_217 : memref<96xi32, #tpu.memory_space<vmem>>) semaphore(%arg9 : memref<!tpu.dma_semaphore, #tpu.memory_space<semaphore_mem>>)
      %dma_wait3A = arith.constant 0 : i32
      %dma_wait3A_221 = arith.constant 0 : i32
      %dma_wait3A_222 = arith.constant 0 : i32
      %dma_wait3A_223 = tpu.memref_slice %arg6[%dma_wait3A, %dma_wait3A_221, %dma_wait3A_222] : memref<4x200x64xf32, #tpu.memory_space<vmem>> -> memref<1x104x64xf32, #tpu.memory_space<vmem>>
      %dma_wait3A_224 = tpu.memref_squeeze %dma_wait3A_223 : memref<1x104x64xf32, #tpu.memory_space<vmem>> -> memref<104x64xf32, #tpu.memory_space<vmem>>
      %dma_wait3A_225 = arith.constant 0 : i32
      %dma_wait3A_226 = tpu.memref_slice %arg5[%add3A_13, %dma_wait3A_225] : memref<128x200xi32, #tpu.memory_space<vmem>> -> memref<1x104xi32, #tpu.memory_space<vmem>>
      %dma_wait3A_227 = tpu.memref_squeeze %dma_wait3A_226 : memref<1x104xi32, #tpu.memory_space<vmem>> -> memref<104xi32, #tpu.memory_space<vmem>>
      %dma_wait3A_228 = arith.constant 0 : i32
      %dma_wait3A_229 = arith.constant 0 : i32
      %dma_wait3A_230 = tpu.memref_slice %arg2[%dma_wait3A_228, %dma_wait3A_229] : memref<1000000x64xf32, #tpu.memory_space<hbm>> -> memref<1000000x64xf32, #tpu.memory_space<hbm>>
      tpu.wait_indirect_dma semaphore(%arg8 : memref<!tpu.dma_semaphore, #tpu.memory_space<semaphore_mem>>) src(%dma_wait3A_230 : memref<1000000x64xf32, #tpu.memory_space<hbm>>) dst(%dma_wait3A_224 : memref<104x64xf32, #tpu.memory_space<vmem>>)
      %dma_wait3A_231 = arith.constant 0 : i32
      %dma_wait3A_232 = arith.constant 104 : i32
      %dma_wait3A_233 = arith.constant 0 : i32
      %dma_wait3A_234 = tpu.memref_slice %arg6[%dma_wait3A_231, %dma_wait3A_232, %dma_wait3A_233] : memref<4x200x64xf32, #tpu.memory_space<vmem>> -> memref<1x96x64xf32, #tpu.memory_space<vmem>>
      %dma_wait3A_235 = tpu.memref_squeeze %dma_wait3A_234 : memref<1x96x64xf32, #tpu.memory_space<vmem>> -> memref<96x64xf32, #tpu.memory_space<vmem>>
      %dma_wait3A_236 = arith.constant 104 : i32
      %dma_wait3A_237 = tpu.memref_slice %arg5[%add3A_25, %dma_wait3A_236] : memref<128x200xi32, #tpu.memory_space<vmem>> -> memref<1x96xi32, #tpu.memory_space<vmem>>
      %dma_wait3A_238 = tpu.memref_squeeze %dma_wait3A_237 : memref<1x96xi32, #tpu.memory_space<vmem>> -> memref<96xi32, #tpu.memory_space<vmem>>
      %dma_wait3A_239 = arith.constant 0 : i32
      %dma_wait3A_240 = arith.constant 0 : i32
      %dma_wait3A_241 = tpu.memref_slice %arg2[%dma_wait3A_239, %dma_wait3A_240] : memref<1000000x64xf32, #tpu.memory_space<hbm>> -> memref<1000000x64xf32, #tpu.memory_space<hbm>>
      tpu.wait_indirect_dma semaphore(%arg8 : memref<!tpu.dma_semaphore, #tpu.memory_space<semaphore_mem>>) src(%dma_wait3A_241 : memref<1000000x64xf32, #tpu.memory_space<hbm>>) dst(%dma_wait3A_235 : memref<96x64xf32, #tpu.memory_space<vmem>>)
      %dma_wait3A_242 = arith.constant 1 : i32
      %dma_wait3A_243 = arith.constant 0 : i32
      %dma_wait3A_244 = arith.constant 0 : i32
      %dma_wait3A_245 = tpu.memref_slice %arg6[%dma_wait3A_242, %dma_wait3A_243, %dma_wait3A_244] : memref<4x200x64xf32, #tpu.memory_space<vmem>> -> memref<1x104x64xf32, #tpu.memory_space<vmem>>
      %dma_wait3A_246 = tpu.memref_squeeze %dma_wait3A_245 : memref<1x104x64xf32, #tpu.memory_space<vmem>> -> memref<104x64xf32, #tpu.memory_space<vmem>>
      %dma_wait3A_247 = arith.constant 0 : i32
      %dma_wait3A_248 = tpu.memref_slice %arg5[%add3A_38, %dma_wait3A_247] : memref<128x200xi32, #tpu.memory_space<vmem>> -> memref<1x104xi32, #tpu.memory_space<vmem>>
      %dma_wait3A_249 = tpu.memref_squeeze %dma_wait3A_248 : memref<1x104xi32, #tpu.memory_space<vmem>> -> memref<104xi32, #tpu.memory_space<vmem>>
      %dma_wait3A_250 = arith.constant 0 : i32
      %dma_wait3A_251 = arith.constant 0 : i32
      %dma_wait3A_252 = tpu.memref_slice %arg2[%dma_wait3A_250, %dma_wait3A_251] : memref<1000000x64xf32, #tpu.memory_space<hbm>> -> memref<1000000x64xf32, #tpu.memory_space<hbm>>
      tpu.wait_indirect_dma semaphore(%arg8 : memref<!tpu.dma_semaphore, #tpu.memory_space<semaphore_mem>>) src(%dma_wait3A_252 : memref<1000000x64xf32, #tpu.memory_space<hbm>>) dst(%dma_wait3A_246 : memref<104x64xf32, #tpu.memory_space<vmem>>)
      %dma_wait3A_253 = arith.constant 1 : i32
      %dma_wait3A_254 = arith.constant 104 : i32
      %dma_wait3A_255 = arith.constant 0 : i32
      %dma_wait3A_256 = tpu.memref_slice %arg6[%dma_wait3A_253, %dma_wait3A_254, %dma_wait3A_255] : memref<4x200x64xf32, #tpu.memory_space<vmem>> -> memref<1x96x64xf32, #tpu.memory_space<vmem>>
      %dma_wait3A_257 = tpu.memref_squeeze %dma_wait3A_256 : memref<1x96x64xf32, #tpu.memory_space<vmem>> -> memref<96x64xf32, #tpu.memory_space<vmem>>
      %dma_wait3A_258 = arith.constant 104 : i32
      %dma_wait3A_259 = tpu.memref_slice %arg5[%add3A_51, %dma_wait3A_258] : memref<128x200xi32, #tpu.memory_space<vmem>> -> memref<1x96xi32, #tpu.memory_space<vmem>>
      %dma_wait3A_260 = tpu.memref_squeeze %dma_wait3A_259 : memref<1x96xi32, #tpu.memory_space<vmem>> -> memref<96xi32, #tpu.memory_space<vmem>>
      %dma_wait3A_261 = arith.constant 0 : i32
      %dma_wait3A_262 = arith.constant 0 : i32
      %dma_wait3A_263 = tpu.memref_slice %arg2[%dma_wait3A_261, %dma_wait3A_262] : memref<1000000x64xf32, #tpu.memory_space<hbm>> -> memref<1000000x64xf32, #tpu.memory_space<hbm>>
      tpu.wait_indirect_dma semaphore(%arg8 : memref<!tpu.dma_semaphore, #tpu.memory_space<semaphore_mem>>) src(%dma_wait3A_263 : memref<1000000x64xf32, #tpu.memory_space<hbm>>) dst(%dma_wait3A_257 : memref<96x64xf32, #tpu.memory_space<vmem>>)
      %dma_wait3A_264 = arith.constant 2 : i32
      %dma_wait3A_265 = arith.constant 0 : i32
      %dma_wait3A_266 = arith.constant 0 : i32
      %dma_wait3A_267 = tpu.memref_slice %arg6[%dma_wait3A_264, %dma_wait3A_265, %dma_wait3A_266] : memref<4x200x64xf32, #tpu.memory_space<vmem>> -> memref<1x104x64xf32, #tpu.memory_space<vmem>>
      %dma_wait3A_268 = tpu.memref_squeeze %dma_wait3A_267 : memref<1x104x64xf32, #tpu.memory_space<vmem>> -> memref<104x64xf32, #tpu.memory_space<vmem>>
      %dma_wait3A_269 = arith.constant 0 : i32
      %dma_wait3A_270 = tpu.memref_slice %arg5[%add3A_64, %dma_wait3A_269] : memref<128x200xi32, #tpu.memory_space<vmem>> -> memref<1x104xi32, #tpu.memory_space<vmem>>
      %dma_wait3A_271 = tpu.memref_squeeze %dma_wait3A_270 : memref<1x104xi32, #tpu.memory_space<vmem>> -> memref<104xi32, #tpu.memory_space<vmem>>
      %dma_wait3A_272 = arith.constant 0 : i32
      %dma_wait3A_273 = arith.constant 0 : i32
      %dma_wait3A_274 = tpu.memref_slice %arg2[%dma_wait3A_272, %dma_wait3A_273] : memref<1000000x64xf32, #tpu.memory_space<hbm>> -> memref<1000000x64xf32, #tpu.memory_space<hbm>>
      tpu.wait_indirect_dma semaphore(%arg8 : memref<!tpu.dma_semaphore, #tpu.memory_space<semaphore_mem>>) src(%dma_wait3A_274 : memref<1000000x64xf32, #tpu.memory_space<hbm>>) dst(%dma_wait3A_268 : memref<104x64xf32, #tpu.memory_space<vmem>>)
      %dma_wait3A_275 = arith.constant 2 : i32
      %dma_wait3A_276 = arith.constant 104 : i32
      %dma_wait3A_277 = arith.constant 0 : i32
      %dma_wait3A_278 = tpu.memref_slice %arg6[%dma_wait3A_275, %dma_wait3A_276, %dma_wait3A_277] : memref<4x200x64xf32, #tpu.memory_space<vmem>> -> memref<1x96x64xf32, #tpu.memory_space<vmem>>
      %dma_wait3A_279 = tpu.memref_squeeze %dma_wait3A_278 : memref<1x96x64xf32, #tpu.memory_space<vmem>> -> memref<96x64xf32, #tpu.memory_space<vmem>>
      %dma_wait3A_280 = arith.constant 104 : i32
      %dma_wait3A_281 = tpu.memref_slice %arg5[%add3A_77, %dma_wait3A_280] : memref<128x200xi32, #tpu.memory_space<vmem>> -> memref<1x96xi32, #tpu.memory_space<vmem>>
      %dma_wait3A_282 = tpu.memref_squeeze %dma_wait3A_281 : memref<1x96xi32, #tpu.memory_space<vmem>> -> memref<96xi32, #tpu.memory_space<vmem>>
      %dma_wait3A_283 = arith.constant 0 : i32
      %dma_wait3A_284 = arith.constant 0 : i32
      %dma_wait3A_285 = tpu.memref_slice %arg2[%dma_wait3A_283, %dma_wait3A_284] : memref<1000000x64xf32, #tpu.memory_space<hbm>> -> memref<1000000x64xf32, #tpu.memory_space<hbm>>
      tpu.wait_indirect_dma semaphore(%arg8 : memref<!tpu.dma_semaphore, #tpu.memory_space<semaphore_mem>>) src(%dma_wait3A_285 : memref<1000000x64xf32, #tpu.memory_space<hbm>>) dst(%dma_wait3A_279 : memref<96x64xf32, #tpu.memory_space<vmem>>)
      %dma_wait3A_286 = arith.constant 3 : i32
      %dma_wait3A_287 = arith.constant 0 : i32
      %dma_wait3A_288 = arith.constant 0 : i32
      %dma_wait3A_289 = tpu.memref_slice %arg6[%dma_wait3A_286, %dma_wait3A_287, %dma_wait3A_288] : memref<4x200x64xf32, #tpu.memory_space<vmem>> -> memref<1x104x64xf32, #tpu.memory_space<vmem>>
      %dma_wait3A_290 = tpu.memref_squeeze %dma_wait3A_289 : memref<1x104x64xf32, #tpu.memory_space<vmem>> -> memref<104x64xf32, #tpu.memory_space<vmem>>
      %dma_wait3A_291 = arith.constant 0 : i32
      %dma_wait3A_292 = tpu.memref_slice %arg5[%add3A_90, %dma_wait3A_291] : memref<128x200xi32, #tpu.memory_space<vmem>> -> memref<1x104xi32, #tpu.memory_space<vmem>>
      %dma_wait3A_293 = tpu.memref_squeeze %dma_wait3A_292 : memref<1x104xi32, #tpu.memory_space<vmem>> -> memref<104xi32, #tpu.memory_space<vmem>>
      %dma_wait3A_294 = arith.constant 0 : i32
      %dma_wait3A_295 = arith.constant 0 : i32
      %dma_wait3A_296 = tpu.memref_slice %arg2[%dma_wait3A_294, %dma_wait3A_295] : memref<1000000x64xf32, #tpu.memory_space<hbm>> -> memref<1000000x64xf32, #tpu.memory_space<hbm>>
      tpu.wait_indirect_dma semaphore(%arg8 : memref<!tpu.dma_semaphore, #tpu.memory_space<semaphore_mem>>) src(%dma_wait3A_296 : memref<1000000x64xf32, #tpu.memory_space<hbm>>) dst(%dma_wait3A_290 : memref<104x64xf32, #tpu.memory_space<vmem>>)
      %dma_wait3A_297 = arith.constant 3 : i32
      %dma_wait3A_298 = arith.constant 104 : i32
      %dma_wait3A_299 = arith.constant 0 : i32
      %dma_wait3A_300 = tpu.memref_slice %arg6[%dma_wait3A_297, %dma_wait3A_298, %dma_wait3A_299] : memref<4x200x64xf32, #tpu.memory_space<vmem>> -> memref<1x96x64xf32, #tpu.memory_space<vmem>>
      %dma_wait3A_301 = tpu.memref_squeeze %dma_wait3A_300 : memref<1x96x64xf32, #tpu.memory_space<vmem>> -> memref<96x64xf32, #tpu.memory_space<vmem>>
      %dma_wait3A_302 = arith.constant 104 : i32
      %dma_wait3A_303 = tpu.memref_slice %arg5[%add3A_103, %dma_wait3A_302] : memref<128x200xi32, #tpu.memory_space<vmem>> -> memref<1x96xi32, #tpu.memory_space<vmem>>
      %dma_wait3A_304 = tpu.memref_squeeze %dma_wait3A_303 : memref<1x96xi32, #tpu.memory_space<vmem>> -> memref<96xi32, #tpu.memory_space<vmem>>
      %dma_wait3A_305 = arith.constant 0 : i32
      %dma_wait3A_306 = arith.constant 0 : i32
      %dma_wait3A_307 = tpu.memref_slice %arg2[%dma_wait3A_305, %dma_wait3A_306] : memref<1000000x64xf32, #tpu.memory_space<hbm>> -> memref<1000000x64xf32, #tpu.memory_space<hbm>>
      tpu.wait_indirect_dma semaphore(%arg8 : memref<!tpu.dma_semaphore, #tpu.memory_space<semaphore_mem>>) src(%dma_wait3A_307 : memref<1000000x64xf32, #tpu.memory_space<hbm>>) dst(%dma_wait3A_301 : memref<96x64xf32, #tpu.memory_space<vmem>>)
      %add3A_308 = arith.addi %mul3A_2, %add3A_11 : i32
      %dma_start3A_309 = arith.constant 0 : i32
      %dma_start3A_310 = arith.constant 0 : i32
      %dma_start3A_311 = tpu.memref_slice %arg4[%add3A_308, %dma_start3A_309, %dma_start3A_310] : memref<4096x200x64xf32, #tpu.memory_space<hbm>> -> memref<4x200x64xf32, #tpu.memory_space<hbm>>
      %dma_start3A_312 = arith.constant 0 : i32
      %dma_start3A_313 = arith.constant 0 : i32
      %dma_start3A_314 = tpu.memref_slice %arg4[%add3A_308, %dma_start3A_312, %dma_start3A_313] : memref<4096x200x64xf32, #tpu.memory_space<hbm>> -> memref<4x200x64xf32, #tpu.memory_space<hbm>>
      tpu.enqueue_dma source(%arg6 : memref<4x200x64xf32, #tpu.memory_space<vmem>>) target(%dma_start3A_314 : memref<4x200x64xf32, #tpu.memory_space<hbm>>) target_semaphore(%arg10 : memref<!tpu.dma_semaphore, #tpu.memory_space<semaphore_mem>>)
      %dma_wait3A_315 = arith.constant 0 : i32
      %dma_wait3A_316 = arith.constant 0 : i32
      %dma_wait3A_317 = arith.constant 0 : i32
      %dma_wait3A_318 = tpu.memref_slice %arg7[%dma_wait3A_315, %dma_wait3A_316, %dma_wait3A_317] : memref<4x200x64xf32, #tpu.memory_space<vmem>> -> memref<1x104x64xf32, #tpu.memory_space<vmem>>
      %dma_wait3A_319 = tpu.memref_squeeze %dma_wait3A_318 : memref<1x104x64xf32, #tpu.memory_space<vmem>> -> memref<104x64xf32, #tpu.memory_space<vmem>>
      %dma_wait3A_320 = arith.constant 0 : i32
      %dma_wait3A_321 = tpu.memref_slice %arg5[%add3A_118, %dma_wait3A_320] : memref<128x200xi32, #tpu.memory_space<vmem>> -> memref<1x104xi32, #tpu.memory_space<vmem>>
      %dma_wait3A_322 = tpu.memref_squeeze %dma_wait3A_321 : memref<1x104xi32, #tpu.memory_space<vmem>> -> memref<104xi32, #tpu.memory_space<vmem>>
      %dma_wait3A_323 = arith.constant 0 : i32
      %dma_wait3A_324 = arith.constant 0 : i32
      %dma_wait3A_325 = tpu.memref_slice %arg2[%dma_wait3A_323, %dma_wait3A_324] : memref<1000000x64xf32, #tpu.memory_space<hbm>> -> memref<1000000x64xf32, #tpu.memory_space<hbm>>
      tpu.wait_indirect_dma semaphore(%arg9 : memref<!tpu.dma_semaphore, #tpu.memory_space<semaphore_mem>>) src(%dma_wait3A_325 : memref<1000000x64xf32, #tpu.memory_space<hbm>>) dst(%dma_wait3A_319 : memref<104x64xf32, #tpu.memory_space<vmem>>)
      %dma_wait3A_326 = arith.constant 0 : i32
      %dma_wait3A_327 = arith.constant 104 : i32
      %dma_wait3A_328 = arith.constant 0 : i32
      %dma_wait3A_329 = tpu.memref_slice %arg7[%dma_wait3A_326, %dma_wait3A_327, %dma_wait3A_328] : memref<4x200x64xf32, #tpu.memory_space<vmem>> -> memref<1x96x64xf32, #tpu.memory_space<vmem>>
      %dma_wait3A_330 = tpu.memref_squeeze %dma_wait3A_329 : memref<1x96x64xf32, #tpu.memory_space<vmem>> -> memref<96x64xf32, #tpu.memory_space<vmem>>
      %dma_wait3A_331 = arith.constant 104 : i32
      %dma_wait3A_332 = tpu.memref_slice %arg5[%add3A_131, %dma_wait3A_331] : memref<128x200xi32, #tpu.memory_space<vmem>> -> memref<1x96xi32, #tpu.memory_space<vmem>>
      %dma_wait3A_333 = tpu.memref_squeeze %dma_wait3A_332 : memref<1x96xi32, #tpu.memory_space<vmem>> -> memref<96xi32, #tpu.memory_space<vmem>>
      %dma_wait3A_334 = arith.constant 0 : i32
      %dma_wait3A_335 = arith.constant 0 : i32
      %dma_wait3A_336 = tpu.memref_slice %arg2[%dma_wait3A_334, %dma_wait3A_335] : memref<1000000x64xf32, #tpu.memory_space<hbm>> -> memref<1000000x64xf32, #tpu.memory_space<hbm>>
      tpu.wait_indirect_dma semaphore(%arg9 : memref<!tpu.dma_semaphore, #tpu.memory_space<semaphore_mem>>) src(%dma_wait3A_336 : memref<1000000x64xf32, #tpu.memory_space<hbm>>) dst(%dma_wait3A_330 : memref<96x64xf32, #tpu.memory_space<vmem>>)
      %dma_wait3A_337 = arith.constant 1 : i32
      %dma_wait3A_338 = arith.constant 0 : i32
      %dma_wait3A_339 = arith.constant 0 : i32
      %dma_wait3A_340 = tpu.memref_slice %arg7[%dma_wait3A_337, %dma_wait3A_338, %dma_wait3A_339] : memref<4x200x64xf32, #tpu.memory_space<vmem>> -> memref<1x104x64xf32, #tpu.memory_space<vmem>>
      %dma_wait3A_341 = tpu.memref_squeeze %dma_wait3A_340 : memref<1x104x64xf32, #tpu.memory_space<vmem>> -> memref<104x64xf32, #tpu.memory_space<vmem>>
      %dma_wait3A_342 = arith.constant 0 : i32
      %dma_wait3A_343 = tpu.memref_slice %arg5[%add3A_144, %dma_wait3A_342] : memref<128x200xi32, #tpu.memory_space<vmem>> -> memref<1x104xi32, #tpu.memory_space<vmem>>
      %dma_wait3A_344 = tpu.memref_squeeze %dma_wait3A_343 : memref<1x104xi32, #tpu.memory_space<vmem>> -> memref<104xi32, #tpu.memory_space<vmem>>
      %dma_wait3A_345 = arith.constant 0 : i32
      %dma_wait3A_346 = arith.constant 0 : i32
      %dma_wait3A_347 = tpu.memref_slice %arg2[%dma_wait3A_345, %dma_wait3A_346] : memref<1000000x64xf32, #tpu.memory_space<hbm>> -> memref<1000000x64xf32, #tpu.memory_space<hbm>>
      tpu.wait_indirect_dma semaphore(%arg9 : memref<!tpu.dma_semaphore, #tpu.memory_space<semaphore_mem>>) src(%dma_wait3A_347 : memref<1000000x64xf32, #tpu.memory_space<hbm>>) dst(%dma_wait3A_341 : memref<104x64xf32, #tpu.memory_space<vmem>>)
      %dma_wait3A_348 = arith.constant 1 : i32
      %dma_wait3A_349 = arith.constant 104 : i32
      %dma_wait3A_350 = arith.constant 0 : i32
      %dma_wait3A_351 = tpu.memref_slice %arg7[%dma_wait3A_348, %dma_wait3A_349, %dma_wait3A_350] : memref<4x200x64xf32, #tpu.memory_space<vmem>> -> memref<1x96x64xf32, #tpu.memory_space<vmem>>
      %dma_wait3A_352 = tpu.memref_squeeze %dma_wait3A_351 : memref<1x96x64xf32, #tpu.memory_space<vmem>> -> memref<96x64xf32, #tpu.memory_space<vmem>>
      %dma_wait3A_353 = arith.constant 104 : i32
      %dma_wait3A_354 = tpu.memref_slice %arg5[%add3A_157, %dma_wait3A_353] : memref<128x200xi32, #tpu.memory_space<vmem>> -> memref<1x96xi32, #tpu.memory_space<vmem>>
      %dma_wait3A_355 = tpu.memref_squeeze %dma_wait3A_354 : memref<1x96xi32, #tpu.memory_space<vmem>> -> memref<96xi32, #tpu.memory_space<vmem>>
      %dma_wait3A_356 = arith.constant 0 : i32
      %dma_wait3A_357 = arith.constant 0 : i32
      %dma_wait3A_358 = tpu.memref_slice %arg2[%dma_wait3A_356, %dma_wait3A_357] : memref<1000000x64xf32, #tpu.memory_space<hbm>> -> memref<1000000x64xf32, #tpu.memory_space<hbm>>
      tpu.wait_indirect_dma semaphore(%arg9 : memref<!tpu.dma_semaphore, #tpu.memory_space<semaphore_mem>>) src(%dma_wait3A_358 : memref<1000000x64xf32, #tpu.memory_space<hbm>>) dst(%dma_wait3A_352 : memref<96x64xf32, #tpu.memory_space<vmem>>)
      %dma_wait3A_359 = arith.constant 2 : i32
      %dma_wait3A_360 = arith.constant 0 : i32
      %dma_wait3A_361 = arith.constant 0 : i32
      %dma_wait3A_362 = tpu.memref_slice %arg7[%dma_wait3A_359, %dma_wait3A_360, %dma_wait3A_361] : memref<4x200x64xf32, #tpu.memory_space<vmem>> -> memref<1x104x64xf32, #tpu.memory_space<vmem>>
      %dma_wait3A_363 = tpu.memref_squeeze %dma_wait3A_362 : memref<1x104x64xf32, #tpu.memory_space<vmem>> -> memref<104x64xf32, #tpu.memory_space<vmem>>
      %dma_wait3A_364 = arith.constant 0 : i32
      %dma_wait3A_365 = tpu.memref_slice %arg5[%add3A_170, %dma_wait3A_364] : memref<128x200xi32, #tpu.memory_space<vmem>> -> memref<1x104xi32, #tpu.memory_space<vmem>>
      %dma_wait3A_366 = tpu.memref_squeeze %dma_wait3A_365 : memref<1x104xi32, #tpu.memory_space<vmem>> -> memref<104xi32, #tpu.memory_space<vmem>>
      %dma_wait3A_367 = arith.constant 0 : i32
      %dma_wait3A_368 = arith.constant 0 : i32
      %dma_wait3A_369 = tpu.memref_slice %arg2[%dma_wait3A_367, %dma_wait3A_368] : memref<1000000x64xf32, #tpu.memory_space<hbm>> -> memref<1000000x64xf32, #tpu.memory_space<hbm>>
      tpu.wait_indirect_dma semaphore(%arg9 : memref<!tpu.dma_semaphore, #tpu.memory_space<semaphore_mem>>) src(%dma_wait3A_369 : memref<1000000x64xf32, #tpu.memory_space<hbm>>) dst(%dma_wait3A_363 : memref<104x64xf32, #tpu.memory_space<vmem>>)
      %dma_wait3A_370 = arith.constant 2 : i32
      %dma_wait3A_371 = arith.constant 104 : i32
      %dma_wait3A_372 = arith.constant 0 : i32
      %dma_wait3A_373 = tpu.memref_slice %arg7[%dma_wait3A_370, %dma_wait3A_371, %dma_wait3A_372] : memref<4x200x64xf32, #tpu.memory_space<vmem>> -> memref<1x96x64xf32, #tpu.memory_space<vmem>>
      %dma_wait3A_374 = tpu.memref_squeeze %dma_wait3A_373 : memref<1x96x64xf32, #tpu.memory_space<vmem>> -> memref<96x64xf32, #tpu.memory_space<vmem>>
      %dma_wait3A_375 = arith.constant 104 : i32
      %dma_wait3A_376 = tpu.memref_slice %arg5[%add3A_183, %dma_wait3A_375] : memref<128x200xi32, #tpu.memory_space<vmem>> -> memref<1x96xi32, #tpu.memory_space<vmem>>
      %dma_wait3A_377 = tpu.memref_squeeze %dma_wait3A_376 : memref<1x96xi32, #tpu.memory_space<vmem>> -> memref<96xi32, #tpu.memory_space<vmem>>
      %dma_wait3A_378 = arith.constant 0 : i32
      %dma_wait3A_379 = arith.constant 0 : i32
      %dma_wait3A_380 = tpu.memref_slice %arg2[%dma_wait3A_378, %dma_wait3A_379] : memref<1000000x64xf32, #tpu.memory_space<hbm>> -> memref<1000000x64xf32, #tpu.memory_space<hbm>>
      tpu.wait_indirect_dma semaphore(%arg9 : memref<!tpu.dma_semaphore, #tpu.memory_space<semaphore_mem>>) src(%dma_wait3A_380 : memref<1000000x64xf32, #tpu.memory_space<hbm>>) dst(%dma_wait3A_374 : memref<96x64xf32, #tpu.memory_space<vmem>>)
      %dma_wait3A_381 = arith.constant 3 : i32
      %dma_wait3A_382 = arith.constant 0 : i32
      %dma_wait3A_383 = arith.constant 0 : i32
      %dma_wait3A_384 = tpu.memref_slice %arg7[%dma_wait3A_381, %dma_wait3A_382, %dma_wait3A_383] : memref<4x200x64xf32, #tpu.memory_space<vmem>> -> memref<1x104x64xf32, #tpu.memory_space<vmem>>
      %dma_wait3A_385 = tpu.memref_squeeze %dma_wait3A_384 : memref<1x104x64xf32, #tpu.memory_space<vmem>> -> memref<104x64xf32, #tpu.memory_space<vmem>>
      %dma_wait3A_386 = arith.constant 0 : i32
      %dma_wait3A_387 = tpu.memref_slice %arg5[%add3A_196, %dma_wait3A_386] : memref<128x200xi32, #tpu.memory_space<vmem>> -> memref<1x104xi32, #tpu.memory_space<vmem>>
      %dma_wait3A_388 = tpu.memref_squeeze %dma_wait3A_387 : memref<1x104xi32, #tpu.memory_space<vmem>> -> memref<104xi32, #tpu.memory_space<vmem>>
      %dma_wait3A_389 = arith.constant 0 : i32
      %dma_wait3A_390 = arith.constant 0 : i32
      %dma_wait3A_391 = tpu.memref_slice %arg2[%dma_wait3A_389, %dma_wait3A_390] : memref<1000000x64xf32, #tpu.memory_space<hbm>> -> memref<1000000x64xf32, #tpu.memory_space<hbm>>
      tpu.wait_indirect_dma semaphore(%arg9 : memref<!tpu.dma_semaphore, #tpu.memory_space<semaphore_mem>>) src(%dma_wait3A_391 : memref<1000000x64xf32, #tpu.memory_space<hbm>>) dst(%dma_wait3A_385 : memref<104x64xf32, #tpu.memory_space<vmem>>)
      %dma_wait3A_392 = arith.constant 3 : i32
      %dma_wait3A_393 = arith.constant 104 : i32
      %dma_wait3A_394 = arith.constant 0 : i32
      %dma_wait3A_395 = tpu.memref_slice %arg7[%dma_wait3A_392, %dma_wait3A_393, %dma_wait3A_394] : memref<4x200x64xf32, #tpu.memory_space<vmem>> -> memref<1x96x64xf32, #tpu.memory_space<vmem>>
      %dma_wait3A_396 = tpu.memref_squeeze %dma_wait3A_395 : memref<1x96x64xf32, #tpu.memory_space<vmem>> -> memref<96x64xf32, #tpu.memory_space<vmem>>
      %dma_wait3A_397 = arith.constant 104 : i32
      %dma_wait3A_398 = tpu.memref_slice %arg5[%add3A_209, %dma_wait3A_397] : memref<128x200xi32, #tpu.memory_space<vmem>> -> memref<1x96xi32, #tpu.memory_space<vmem>>
      %dma_wait3A_399 = tpu.memref_squeeze %dma_wait3A_398 : memref<1x96xi32, #tpu.memory_space<vmem>> -> memref<96xi32, #tpu.memory_space<vmem>>
      %dma_wait3A_400 = arith.constant 0 : i32
      %dma_wait3A_401 = arith.constant 0 : i32
      %dma_wait3A_402 = tpu.memref_slice %arg2[%dma_wait3A_400, %dma_wait3A_401] : memref<1000000x64xf32, #tpu.memory_space<hbm>> -> memref<1000000x64xf32, #tpu.memory_space<hbm>>
      tpu.wait_indirect_dma semaphore(%arg9 : memref<!tpu.dma_semaphore, #tpu.memory_space<semaphore_mem>>) src(%dma_wait3A_402 : memref<1000000x64xf32, #tpu.memory_space<hbm>>) dst(%dma_wait3A_396 : memref<96x64xf32, #tpu.memory_space<vmem>>)
      %add3A_403 = arith.addi %mul3A_2, %add3A_11 : i32
      %add3A_404 = arith.constant 4 : i32
      %add3A_405 = arith.addi %add3A_403, %add3A_404 : i32
      %dma_start3A_406 = arith.constant 0 : i32
      %dma_start3A_407 = arith.constant 0 : i32
      %dma_start3A_408 = tpu.memref_slice %arg4[%add3A_405, %dma_start3A_406, %dma_start3A_407] : memref<4096x200x64xf32, #tpu.memory_space<hbm>> -> memref<4x200x64xf32, #tpu.memory_space<hbm>>
      %dma_start3A_409 = arith.constant 0 : i32
      %dma_start3A_410 = arith.constant 0 : i32
      %dma_start3A_411 = tpu.memref_slice %arg4[%add3A_405, %dma_start3A_409, %dma_start3A_410] : memref<4096x200x64xf32, #tpu.memory_space<hbm>> -> memref<4x200x64xf32, #tpu.memory_space<hbm>>
      tpu.enqueue_dma source(%arg7 : memref<4x200x64xf32, #tpu.memory_space<vmem>>) target(%dma_start3A_411 : memref<4x200x64xf32, #tpu.memory_space<hbm>>) target_semaphore(%arg11 : memref<!tpu.dma_semaphore, #tpu.memory_space<semaphore_mem>>)
      %dma_wait3A_412 = arith.constant 0 : i32
      %dma_wait3A_413 = arith.constant 0 : i32
      %dma_wait3A_414 = tpu.memref_slice %arg4[%add3A_308, %dma_wait3A_412, %dma_wait3A_413] : memref<4096x200x64xf32, #tpu.memory_space<hbm>> -> memref<4x200x64xf32, #tpu.memory_space<hbm>>
      %dma_wait3A_415 = arith.constant 0 : i32
      %dma_wait3A_416 = arith.constant 0 : i32
      %dma_wait3A_417 = tpu.memref_slice %arg4[%add3A_308, %dma_wait3A_415, %dma_wait3A_416] : memref<4096x200x64xf32, #tpu.memory_space<hbm>> -> memref<4x200x64xf32, #tpu.memory_space<hbm>>
      tpu.wait_dma2 semaphore(%arg10 : memref<!tpu.dma_semaphore, #tpu.memory_space<semaphore_mem>>) src(%arg6 : memref<4x200x64xf32, #tpu.memory_space<vmem>>) dst(%dma_wait3A_417 : memref<4x200x64xf32, #tpu.memory_space<hbm>>)
      %dma_wait3A_418 = arith.constant 0 : i32
      %dma_wait3A_419 = arith.constant 0 : i32
      %dma_wait3A_420 = tpu.memref_slice %arg4[%add3A_405, %dma_wait3A_418, %dma_wait3A_419] : memref<4096x200x64xf32, #tpu.memory_space<hbm>> -> memref<4x200x64xf32, #tpu.memory_space<hbm>>
      %dma_wait3A_421 = arith.constant 0 : i32
      %dma_wait3A_422 = arith.constant 0 : i32
      %dma_wait3A_423 = tpu.memref_slice %arg4[%add3A_405, %dma_wait3A_421, %dma_wait3A_422] : memref<4096x200x64xf32, #tpu.memory_space<hbm>> -> memref<4x200x64xf32, #tpu.memory_space<hbm>>
      tpu.wait_dma2 semaphore(%arg11 : memref<!tpu.dma_semaphore, #tpu.memory_space<semaphore_mem>>) src(%arg7 : memref<4x200x64xf32, #tpu.memory_space<vmem>>) dst(%dma_wait3A_423 : memref<4x200x64xf32, #tpu.memory_space<hbm>>)
    }
    %scan3A_6 = arith.constant 16 : i32
    return
  }
}

</mosaic_0001>

<sc_bundles>
// kernel: kernel.3.cloned.1.call-start
scs
__scs_entry_jumppad:
0x0: {  	(pc) =	sbr.rel $0x88, $3  }
0x1: {  	(tag) =	ssettag $0x0;
	lr =	simm.s32 $0x1  }
0x2: {  	[smem:$0x3F9F] =	sst lr;
	_ =	strace $0xD0000000  }
0x3: {  	_ = 	snop  }
0x4: {  	_ = 	snop  }
0x5: {  	_ = 	snop  }
0x6: {  	_ = 	snop  }
0x7: {  	_ = 	snop  }
__scs_overlays_trampoline_lowered:
0x8: {  	[smem:$0x3FAE] =	sst s0  }
0x9: {  	[smem:$0x3FAF] =	sst s1  }
0xa: {  	[smem:$0x3FB0] =	sst s2  }
0xb: {  	[smem:$0x3FB1] =	sst s3  }
0xc: {  	[smem:$0x3FB2] =	sst s4  }
0xd: {  	[smem:$0x3FB3] =	sst s5  }
0xe: {  	[smem:$0x3FB4] =	sst s6  }
0xf: {  	[smem:$0x3FB5] =	sst s7  }
0x10: {  	[smem:$0x3FB6] =	sst s8  }
0x11: {  	[smem:$0x3FB7] =	sst s9;
	s0 =	simm.s32 @!p0 $0x0  }
0x12: {  	s1 =	sld [smem:$0x3F9D];
	s0 =	simm.s32 @p0 $0x1  }
0x13: {  	[smem:$0x3FB8] =	sst s0;
	s0 =	simm.s32 @!p1 $0x0  }
0x14: {  	s2 =	sld [smem:$0x3F9C];
	s0 =	simm.s32 @p1 $0x1  }
0x15: {  	[smem:$0x3FB9] =	sst s0;
	s0 =	simm.s32 @!p2 $0x0  }
0x16: {  	s3 =	sld [smem:$0x3FDB];
	s0 =	simm.s32 @p2 $0x1  }
0x17: {  	s4 =	simm.s32 $0x1BF5;
	[smem:$0x3FBB] =	sst s0  }
0x18: {  	s0 =	sld [smem:$0x3F9E];
	_ =	swait.ge [sflag:s4], $0x0  }
0x19: {  	s7 =	sld [smem:$0x3F9F]  }
0x1a: {  	s8 =	sadd.s32 $0xFFFFE003, lr  }
0x1b: {  	s9 =	sadd.s32 $0xFFFFFEF7, lr;
	s5 =	simm.s32 $0xFFFFFFFF;
	p2 =	slt.u32 s8, $0xFFFFF086  }
0x1c: {  	p1 =	slt.u32 s9, $0xF7A;
	s5 =	simm.s32 @!p2 $0x0  }
0x1d: {  	s5 =	simm.s32 @p1 $0x1;
	p0 =	seq.s32 s7, s2  }
0x1e: {  	s7 =	smul.u32 @!p0 $0xF7A, s2;
	p2 =	seq.s32 @!p0 s5, $0x0  }
0x1f: {  	s9 =	smul.u32 $0xF7A, s1;
	s8 =	simm.s32 @!p0 $0x1BF5;
	p2 =	por !p2, p0  }
0x20: {  	[sflag:s8] =	ssyncset.s32 @!p0 $0xFFFFF086;
	s6 =	sadd.s32 @!p0 s3, s7;
	s7 =	simm.s32 @!p0 $0x108  }
0x21: {  	s3 =	sadd.s32 s3, s9;
	s6 =	sadd.s32 @!p0 $0x88, s6;
	s7 =	simm.s32 @p2 $0x1082  }
0x22: {  	[simem:s7], [sflag:s8] =	dma.local @!p0 [hbm:s6], $0xF7A  }
0x23: {  	s9 =	sor.u32 $0xD0000000, s2;
	s6 =	simm.s32 $0x108;
	_ =	swait.ge @!p0 [sflag:s8], $0x0  }
0x24: {  	s3 =	sadd.s32 $0x88, s3;
	s6 =	simm.s32 @!p1 $0x1082;
	[sflag:s4] =	ssyncset.s32 $0xFFFFF086  }
0x25: {  	[simem:s6], [sflag:s4] =	dma.local [hbm:s3], $0xF7A  }
0x26: {  	[smem:$0x3F9F] =	sst s1;
	(tag) =	ssettag s2;
	_ =	strace s9  }
0x27: {  	s1 =	sld [smem:$0x3FAF]  }
0x28: {  	s2 =	sld [smem:$0x3FB0]  }
0x29: {  	s4 =	sld [smem:$0x3FB2]  }
0x2a: {  	p0 =	seq.s32 s5, $0x0;
	s5 =	sld [smem:$0x3FB3]  }
0x2b: {  	s6 =	sld [smem:$0x3FB4]  }
0x2c: {  	s7 =	sld [smem:$0x3FB5]  }
0x2d: {  	s3 =	simm.s32 $0x108;
	s8 =	sld [smem:$0x3FB6]  }
0x2e: {  	s3 =	simm.s32 @!p0 $0x1082;
	s9 =	sld [smem:$0x3FB7]  }
0x2f: {  	lr =	sadd.s32 s0, s3;
	s0 =	sld [smem:$0x3FAE]  }
0x30: {  	s3 =	sld [smem:$0x3FB1]  }
0x31: {  	[smem:$0x3FBA] =	sst s10  }
0x32: {  	s10 =	sld [smem:$0x3FB8];
	_ =	sdelay $0x3  }
0x33: {  	p0 =	seq.s32 s10, $0x1;
	s10 =	sld [smem:$0x3FBA];
	_ =	sdelay $0x3  }
0x34: {  	[smem:$0x3FBA] =	sst s10  }
0x35: {  	s10 =	sld [smem:$0x3FB9];
	_ =	sdelay $0x3  }
0x36: {  	p1 =	seq.s32 s10, $0x1;
	s10 =	sld [smem:$0x3FBA];
	_ =	sdelay $0x3  }
0x37: {  	[smem:$0x3FBA] =	sst s10  }
0x38: {  	s10 =	sld [smem:$0x3FBB]  }
0x39: {  	_ = 	snop;
	(pc) =	sbr.ind lr, $3  }
0x3a: {  	_ = 	snop  }
0x3b: {  	_ = 	snop  }
0x3c: {  	p2 =	seq.s32 s10, $0x1;
	s10 =	sld [smem:$0x3FBA]  }
0x3d: {  	_ =	shalt  }
0x3e: {  	_ =	shalt  }
0x3f: {  	_ =	shalt  }
0x40: {  	_ =	shalt  }
0x41: {  	_ =	shalt  }
0x42: {  	_ =	shalt  }
0x43: {  	_ =	shalt  }
0x44: {  	_ =	shalt  }
0x45: {  	_ =	shalt  }
0x46: {  	_ =	shalt  }
0x47: {  	_ =	shalt  }
0x48: {  	_ =	shalt  }
0x49: {  	_ =	shalt  }
0x4a: {  	_ =	shalt  }
0x4b: {  	_ =	shalt  }
0x4c: {  	_ =	shalt  }
0x4d: {  	_ =	shalt  }
0x4e: {  	_ =	shalt  }
0x4f: {  	_ =	shalt  }
0x50: {  	_ =	shalt  }
0x51: {  	_ =	shalt  }
0x52: {  	_ =	shalt  }
0x53: {  	_ =	shalt  }
0x54: {  	_ =	shalt  }
0x55: {  	_ =	shalt  }
0x56: {  	_ =	shalt  }
0x57: {  	_ =	shalt  }
0x58: {  	_ =	shalt  }
0x59: {  	_ =	shalt  }
0x5a: {  	_ =	shalt  }
0x5b: {  	_ =	shalt  }
0x5c: {  	_ =	shalt  }
0x5d: {  	_ =	shalt  }
0x5e: {  	_ =	shalt  }
0x5f: {  	_ =	shalt  }
0x60: {  	_ =	shalt  }
0x61: {  	_ =	shalt  }
0x62: {  	_ =	shalt  }
0x63: {  	_ =	shalt  }
0x64: {  	_ =	shalt  }
0x65: {  	_ =	shalt  }
0x66: {  	_ =	shalt  }
0x67: {  	_ =	shalt  }
0x68: {  	_ =	shalt  }
0x69: {  	_ =	shalt  }
0x6a: {  	_ =	shalt  }
0x6b: {  	_ =	shalt  }
0x6c: {  	_ =	shalt  }
0x6d: {  	_ =	shalt  }
0x6e: {  	_ =	shalt  }
0x6f: {  	_ =	shalt  }
0x70: {  	_ =	shalt  }
0x71: {  	_ =	shalt  }
0x72: {  	_ =	shalt  }
0x73: {  	_ =	shalt  }
0x74: {  	_ =	shalt  }
0x75: {  	_ =	shalt  }
0x76: {  	_ =	shalt  }
0x77: {  	_ =	shalt  }
0x78: {  	_ =	shalt  }
0x79: {  	_ =	shalt  }
0x7a: {  	_ =	shalt  }
0x7b: {  	_ =	shalt  }
0x7c: {  	_ =	shalt  }
0x7d: {  	_ =	shalt  }
0x7e: {  	_ =	shalt  }
0x7f: {  	_ =	shalt  }
0x80: {  	_ =	shalt  }
0x81: {  	_ =	shalt  }
0x82: {  	_ =	shalt  }
0x83: {  	_ =	shalt  }
0x84: {  	_ =	shalt  }
0x85: {  	_ =	shalt  }
0x86: {  	_ =	shalt  }
0x87: {  	_ =	shalt  }
.Lfunc_end0:
.L_simem_size_0:
called_computation.1_lowered:
.L_overlay_start_0:
0x88: {  	s2 =	sld [smem:$0x3FD9]  }
0x89: {  	s3 =	sld [smem:$0x3FFE];
	_ =	sdelay $0x1  }
0x8a: {  	s1 =	srdreg.scid  }
0x8b: {  	s0 =	sand.u32 $0x1, s1  }
0x8c: {  	s17 =	sshll.u32 s0, $0xA;
	s2 =	sadd.s32 s3, s2  }
0x8d: {  	s2 =	sadd.s32 s2, s17  }
0x8e: {  	[smem:$0x3FC6] =	sst s2  }
0x8f: {  	_ = 	snop  }
0x90: {  	s2 =	sld [smem:$0x3FD0];
	(tm) =	ssettm $0x1  }
0x91: {  	s18 =	sld [smem:$0x3FFB];
	_ =	sdelay $0x3  }
0x92: {  	_ =	strace s18  }
0x93: {  	s3 =	sld [smem:$0x3FFC];
	_ =	sdelay $0x3  }
0x94: {  	_ =	strace s3  }
0x95: {  	s3 =	sld [smem:$0x3FFD];
	_ =	sdelay $0x3  }
0x96: {  	_ =	strace s3  }
0x97: {  	_ =	strace $0x8FFFFFFF  }
0x98: {  	s19 =	sld [smem:$0x3FDB];
	_ =	sdelay $0x1  }
0x99: {  	s4 =	simm.s32 $_scs_section_size  }
0x9a: {  	s5 =	simm.s32 $_size__tile_overlayer_lowered;
	s6 =	simm.s32 $_tile_overlayer_lowered  }
0x9b: {  	s22 =	simm.s32 $0x1BFF;
	s21 =	sshll.u32 s6, $0x1;
	s3 =	sadd.s32 s4, s19  }
0x9c: {  	s7 =	simm.s32 $0x0;
	s20 =	sshll.u32 s5, $0x1;
	s5 =	sadd.s32 s21, s3  }
0x9d: {  	[timem:s7], [sflag:s22] =	dma.local [hbm:s5], s20  }
0x9e: {  	_ =	swait.ge [sflag:s22], s20  }
0x9f: {  	s4 =	ssub.s32 $0x0, s20;
	[sflag:s22] =	ssyncset.done $0x0  }
0xa0: {  	[sflag:s22] =	ssyncadd.s32 s4;
	_ =	sdelay $0x1  }
0xa1: {  	s23 =	simm.s32 $0x1B8B  }
0xa2: {  	_ =	swait.ge [sflag:s23], $0x1  }
0xa3: {  	[sflag:s23] =	ssyncset.done $0x0  }
0xa4: {  	s25 =	simm.s32 $0x1B8E;
	s24 =	sld [smem:$0x3FFE];
	[sflag:s23] =	ssyncadd.s32 $0xFFFFFFFF  }
0xa5: {  	s26 =	simm.s32 $execute0_lowered;
	[smem:$0x3FD2] =	sst s25  }
0xa6: {  	s5 =	sshll.u32 s26, $0x1;
	_ =	strace $0x80000046;
	[dreg:$0x1] =	wrdreg $0xFFFFFFFF  }
0xa7: {  	s28 =	simm.s32 $_size_execute0_lowered;
	s3 =	sadd.s32 s3, s5;
	[dreg:$0x0] =	wrdreg $0x0  }
0xa8: {  	s5 =	sshll.u32 s28, $0x1;
	[dreg:$0x2] =	wrdreg s3  }
0xa9: {  	[dreg:$0x3] =	wrdreg s5  }
0xaa: {  	[dreg:$0x4] =	wrdreg $0xC0  }
0xab: {  	_ =	task [dreg:s7], $0x5FFFF  }
0xac: {  	[dreg:$0x1] =	wrdreg $0xFFFFFFFF  }
0xad: {  	[dreg:$0x0] =	wrdreg $0x60  }
0xae: {  	[dreg:$0x2] =	wrdreg s24  }
0xaf: {  	[dreg:$0x3] =	wrdreg s2  }
0xb0: {  	[dreg:$0x4] =	wrdreg $0x9  }
0xb1: {  	_ =	task.clear_ibuf [dreg:s7], $0x5FFFF;
	_ =	strace $0x90000046  }
0xb2: {  	s29 =	simm.s32 $0x9;
	_ =	strace $0x80000048  }
0xb3: {  	_ =	swait.ge [sflag:s29], $0x1  }
0xb4: {  	[sflag:s29] =	ssyncadd.s32 $0xFFFFFFFF  }
0xb5: {  	_ =	strace $0x90000048  }
0xb6: {  	_ =	sfence  }
0xb7: {  	s30 =	sld [smem:$0x0];
	_ =	sdelay $0x2  }
0xb8: {  	s31 =	sshll.u32 s1, $0xD;
	s1 =	sshrl.u32 s1, $0x2  }
0xb9: {  	s3 =	sand.u32 $0x4000, s31;
	s1 =	sadd.s32 s1, s30  }
0xba: {  	s0 =	sor.u32 s3, s0;
	s1 =	sshll.u32 s1, $0x11  }
0xbb: {  	s0 =	sor.u32 s1, s0  }
0xbc: {  	s0 =	sadd.s32 $0x8F2B, s0  }
0xbd: {  	[sflag:s0] =	ssyncadd.remote.s32 $0x1  }
0xbe: {  	_ =	sfence.sel $0xFFFF  }
0xbf: {  	[dreg:$0x0] =	wrdreg $0xFFFFFFFF;
	(pc) =	sbr.abs _section_cstart, $3  }
0xc0: {  	[dreg:$0x1] =	wrdreg $0xFFFFFFFF  }
0xc1: {  	_ =	task.clear_ibuf [dreg:s7], $0x2FFFF;
	_ =	strace $0x9FFFFFFF  }
0xc2: {  	(tm) =	ssettm $0x7FFFFFFF  }
0xc3: {  	_ =	shalt  }
tec
execute0_lowered:
.L_overlay_start_1:
0x0: {  	(tag) =	ssettag $0x1  }
0x1: {  	s1 =	srdreg.scid  }
0x2: {  	s3 =	rddreg [dreg:$0x0];
	s0 =	stileid.u32  }
0x3: {  	s8 =	rddreg [dreg:$0x1];
	s2 =	simm.s32 $0x0;
	s21 =	simm.s32 $0x7E00  }
0x4: {  	s22 =	simm.s32 $0x9600;
	s7 =	sand.u32 $0x1, s1;
	s1 =	rddreg [dreg:$0x2]  }
0x5: {  	s23 =	simm.s32 $0xB000;
	s24 =	simm.s32 $0xC800;
	[smem:$0x7FF] =	sst s2  }
0x6: {  	s26 =	simm.s32 $0xE200;
	_ =	strace $0x80000047;
	[dreg:$0x3] =	wrdreg s21  }
0x7: {  	s28 =	simm.s32 $0xFA00;
	s29 =	simm.s32 $0x11400;
	[dreg:$0x4] =	wrdreg s22  }
0x8: {  	s30 =	simm.s32 $0x14600;
	s31 =	simm.s32 $0x15E00;
	[dreg:$0x5] =	wrdreg s23  }
0x9: {  	s11 =	simm.s32 $0x17800;
	s12 =	simm.s32 $0x19000;
	[dreg:$0x6] =	wrdreg s24  }
0xa: {  	s13 =	simm.s32 $0x1AA00;
	s14 =	simm.s32 $0x1DC00;
	[dreg:$0x7] =	wrdreg s26  }
0xb: {  	s15 =	simm.s32 $0x1;
	s16 =	simm.s32 $0x2;
	[dreg:$0x8] =	wrdreg s28  }
0xc: {  	s17 =	simm.s32 $0x3;
	s18 =	simm.s32 $0x4;
	[dreg:$0x9] =	wrdreg s29  }
0xd: {  	s19 =	simm.s32 $0x0;
	s6 =	smul.u32 $0x320000, s0;
	[dreg:$0xa] =	wrdreg s30  }
0xe: {  	s4 =	sshll.u32 s0, $0x8;
	s25 =	smul.u32 $0x64000, s0;
	[dreg:$0xb] =	wrdreg s31  }
0xf: {  	s5 =	sshll.u32 s7, $0x7;
	s10 =	smul.u32 $0x190000, s7;
	[dreg:$0xc] =	wrdreg s11  }
0x10: {  	s20 =	ssub.s32 $0x2, s7;
	s7 =	smul.u32 $0x32000, s7;
	[dreg:$0xd] =	wrdreg s12  }
0x11: {  	s11 =	simm.s32 $0x60;
	s12 =	simm.s32 $0x12C00;
	[dreg:$0xe] =	wrdreg s13  }
0x12: {  	s13 =	simm.s32 $0x1C200;
	s4 =	sor.u32 s5, s4;
	s9 =	sshrl.u32 s20, $0x1  }
0x13: {  	s4 =	smul.u32 $0x19, s4;
	s5 =	ssub.s32 s20, s9;
	s6 =	sadd.s32 s10, s6  }
0x14: {  	s9 =	simm.s32 $0x68;
	s10 =	simm.s32 $0x6400;
	s6 =	sor.u32 $0xC800, s6  }
0x15: {  	s5 =	smax.u32 s5, $0x1;
	s4 =	sadd.s32 s4, s3;
	s6 =	sshrl.u32 s6, $0x3  }
0x16: {  	s3 =	sadd.s32 $0xF42E00, s3;
	s6 =	sadd.s32 s6, s8;
	s8 =	sadd.s32 s25, s8  }
0x17: {  	s4 =	sadd.s32 $0xA00, s4;
	s7 =	sadd.s32 s7, s8;
	s8 =	simm.s32 $0x5  }
.LBB2_1:
0x18: {  	[tilespmem:s2], [sflag:$0x5] =	stream.linear.gather [hbm4b:s4+s2], $0x6400, $0x38;
	[tilespmem:$0x1F400] =	vst v63  }
0x19: {  	_ =	swait.ge [sflag:s8], $0x6400  }
0x1a: {  	[sflag:s8] =	ssyncset.done $0x0  }
0x1b: {  	s20 =	simm.s32 $0x0;
	[sflag:s8] =	ssyncadd.s32 $0xFFFF9C00  }
0x1c: {  	[tilespmem:s10], [sflag:$0x1] =	stream.indirect.gather [hbm4b:s3+s9], $0x40, s20, s9, $0xb8;
	[tilespmem:$0x1F400] =	vst v63  }
0x1d: {  	s24 =	simm.s32 $0x68;
	s21 =	rddreg [dreg:$0x3]  }
0x1e: {  	[tilespmem:s21], [sflag:$0x1] =	stream.indirect.gather [hbm4b:s3+s11], $0x40, s24, s11, $0xb8;
	[tilespmem:$0x1F400] =	vst v63  }
0x1f: {  	s25 =	simm.s32 $0xC8;
	s22 =	rddreg [dreg:$0x4]  }
0x20: {  	[tilespmem:s22], [sflag:$0x1] =	stream.indirect.gather [hbm4b:s3+s9], $0x40, s25, s9, $0xb8;
	[tilespmem:$0x1F400] =	vst v63  }
0x21: {  	s28 =	simm.s32 $0x130;
	s26 =	rddreg [dreg:$0x5]  }
0x22: {  	[tilespmem:s26], [sflag:$0x1] =	stream.indirect.gather [hbm4b:s3+s11], $0x40, s28, s11, $0xb8;
	[tilespmem:$0x1F400] =	vst v63  }
0x23: {  	s30 =	simm.s32 $0x190;
	s29 =	rddreg [dreg:$0x6]  }
0x24: {  	[tilespmem:s29], [sflag:$0x1] =	stream.indirect.gather [hbm4b:s3+s9], $0x40, s30, s9, $0xb8;
	[tilespmem:$0x1F400] =	vst v63  }
0x25: {  	s31 =	rddreg [dreg:$0x7];
	s22 =	simm.s32 $0x1F8  }
0x26: {  	[tilespmem:s31], [sflag:$0x1] =	stream.indirect.gather [hbm4b:s3+s11], $0x40, s22, s11, $0xb8;
	[tilespmem:$0x1F400] =	vst v63  }
0x27: {  	s23 =	rddreg [dreg:$0x8];
	s24 =	simm.s32 $0x258  }
0x28: {  	[tilespmem:s23], [sflag:$0x1] =	stream.indirect.gather [hbm4b:s3+s9], $0x40, s24, s9, $0xb8;
	[tilespmem:$0x1F400] =	vst v63  }
0x29: {  	s25 =	rddreg [dreg:$0x9];
	s26 =	simm.s32 $0x2C0  }
0x2a: {  	[tilespmem:s25], [sflag:$0x1] =	stream.indirect.gather [hbm4b:s3+s11], $0x40, s26, s11, $0xb8;
	[tilespmem:$0x1F400] =	vst v63  }
0x2b: {  	s28 =	simm.s32 $0x320  }
0x2c: {  	[tilespmem:s12], [sflag:$0x2] =	stream.indirect.gather [hbm4b:s3+s9], $0x40, s28, s9, $0xb8;
	[tilespmem:$0x1F400] =	vst v63  }
0x2d: {  	s29 =	rddreg [dreg:$0xa];
	s30 =	simm.s32 $0x388  }
0x2e: {  	[tilespmem:s29], [sflag:$0x2] =	stream.indirect.gather [hbm4b:s3+s11], $0x40, s30, s11, $0xb8;
	[tilespmem:$0x1F400] =	vst v63  }
0x2f: {  	s21 =	simm.s32 $0x3E8;
	s31 =	rddreg [dreg:$0xb]  }
0x30: {  	[tilespmem:s31], [sflag:$0x2] =	stream.indirect.gather [hbm4b:s3+s9], $0x40, s21, s9, $0xb8;
	[tilespmem:$0x1F400] =	vst v63  }
0x31: {  	s23 =	rddreg [dreg:$0xc];
	s24 =	simm.s32 $0x450  }
0x32: {  	[tilespmem:s23], [sflag:$0x2] =	stream.indirect.gather [hbm4b:s3+s11], $0x40, s24, s11, $0xb8;
	[tilespmem:$0x1F400] =	vst v63  }
0x33: {  	s25 =	rddreg [dreg:$0xd];
	s26 =	simm.s32 $0x4B0  }
0x34: {  	[tilespmem:s25], [sflag:$0x2] =	stream.indirect.gather [hbm4b:s3+s9], $0x40, s26, s9, $0xb8;
	[tilespmem:$0x1F400] =	vst v63  }
0x35: {  	s28 =	rddreg [dreg:$0xe];
	s29 =	simm.s32 $0x518  }
0x36: {  	[tilespmem:s28], [sflag:$0x2] =	stream.indirect.gather [hbm4b:s3+s11], $0x40, s29, s11, $0xb8;
	[tilespmem:$0x1F400] =	vst v63  }
0x37: {  	s30 =	simm.s32 $0x578  }
0x38: {  	[tilespmem:s13], [sflag:$0x2] =	stream.indirect.gather [hbm4b:s3+s9], $0x40, s30, s9, $0xb8;
	[tilespmem:$0x1F400] =	vst v63  }
0x39: {  	s31 =	simm.s32 $0x5E0  }
0x3a: {  	[tilespmem:s14], [sflag:$0x2] =	stream.indirect.gather [hbm4b:s3+s11], $0x40, s31, s11, $0xb8;
	[tilespmem:$0x1F400] =	vst v63  }
0x3b: {  	_ =	swait.ge [sflag:s15], $0x1A00  }
0x3c: {  	[sflag:s15] =	ssyncset.done $0x0  }
0x3d: {  	[sflag:s15] =	ssyncadd.s32 $0xFFFFE600  }
0x3e: {  	_ =	swait.ge [sflag:s15], $0x1800  }
0x3f: {  	[sflag:s15] =	ssyncset.done $0x0  }
0x40: {  	[sflag:s15] =	ssyncadd.s32 $0xFFFFE800  }
0x41: {  	_ =	swait.ge [sflag:s15], $0x1A00  }
0x42: {  	[sflag:s15] =	ssyncset.done $0x0  }
0x43: {  	[sflag:s15] =	ssyncadd.s32 $0xFFFFE600  }
0x44: {  	_ =	swait.ge [sflag:s15], $0x1800  }
0x45: {  	[sflag:s15] =	ssyncset.done $0x0  }
0x46: {  	[sflag:s15] =	ssyncadd.s32 $0xFFFFE800  }
0x47: {  	_ =	swait.ge [sflag:s15], $0x1A00  }
0x48: {  	[sflag:s15] =	ssyncset.done $0x0  }
0x49: {  	[sflag:s15] =	ssyncadd.s32 $0xFFFFE600  }
0x4a: {  	_ =	swait.ge [sflag:s15], $0x1800  }
0x4b: {  	[sflag:s15] =	ssyncset.done $0x0  }
0x4c: {  	[sflag:s15] =	ssyncadd.s32 $0xFFFFE800  }
0x4d: {  	_ =	swait.ge [sflag:s15], $0x1A00  }
0x4e: {  	[sflag:s15] =	ssyncset.done $0x0  }
0x4f: {  	[sflag:s15] =	ssyncadd.s32 $0xFFFFE600  }
0x50: {  	_ =	swait.ge [sflag:s15], $0x1800  }
0x51: {  	[sflag:s15] =	ssyncset.done $0x0  }
0x52: {  	[sflag:s15] =	ssyncadd.s32 $0xFFFFE800  }
0x53: {  	[hbm4b:s7+s2] =	stream.linear.scatter [tilespmem:s10], [sflag:$0x3], $0xC800, $0x38;
	[tilespmem:$0x1F400] =	vst v63  }
0x54: {  	_ =	swait.ge [sflag:s16], $0x1A00  }
0x55: {  	[sflag:s16] =	ssyncset.done $0x0  }
0x56: {  	[sflag:s16] =	ssyncadd.s32 $0xFFFFE600  }
0x57: {  	_ =	swait.ge [sflag:s16], $0x1800  }
0x58: {  	[sflag:s16] =	ssyncset.done $0x0  }
0x59: {  	[sflag:s16] =	ssyncadd.s32 $0xFFFFE800  }
0x5a: {  	_ =	swait.ge [sflag:s16], $0x1A00  }
0x5b: {  	[sflag:s16] =	ssyncset.done $0x0  }
0x5c: {  	[sflag:s16] =	ssyncadd.s32 $0xFFFFE600  }
0x5d: {  	_ =	swait.ge [sflag:s16], $0x1800  }
0x5e: {  	[sflag:s16] =	ssyncset.done $0x0  }
0x5f: {  	[sflag:s16] =	ssyncadd.s32 $0xFFFFE800  }
0x60: {  	_ =	swait.ge [sflag:s16], $0x1A00  }
0x61: {  	[sflag:s16] =	ssyncset.done $0x0  }
0x62: {  	[sflag:s16] =	ssyncadd.s32 $0xFFFFE600  }
0x63: {  	_ =	swait.ge [sflag:s16], $0x1800  }
0x64: {  	[sflag:s16] =	ssyncset.done $0x0  }
0x65: {  	[sflag:s16] =	ssyncadd.s32 $0xFFFFE800  }
0x66: {  	_ =	swait.ge [sflag:s16], $0x1A00  }
0x67: {  	[sflag:s16] =	ssyncset.done $0x0  }
0x68: {  	[sflag:s16] =	ssyncadd.s32 $0xFFFFE600  }
0x69: {  	_ =	swait.ge [sflag:s16], $0x1800  }
0x6a: {  	[sflag:s16] =	ssyncset.done $0x0  }
0x6b: {  	[sflag:s16] =	ssyncadd.s32 $0xFFFFE800  }
0x6c: {  	[hbm4b:s6+s2] =	stream.linear.scatter [tilespmem:s12], [sflag:$0x4], $0xC800, $0x38;
	[tilespmem:$0x1F400] =	vst v63  }
0x6d: {  	_ =	swait.ge [sflag:s17], $0xC800  }
0x6e: {  	[sflag:s17] =	ssyncset.done $0x0  }
0x6f: {  	[sflag:s17] =	ssyncadd.s32 $0xFFFF3800  }
0x70: {  	s20 =	simm.s32 $0x1900;
	_ =	swait.ge [sflag:s18], $0xC800  }
0x71: {  	s22 =	smov.u32 s7;
	s21 =	smov.u32 s6;
	[sflag:s18] =	ssyncset.done $0x0  }
.LBB2_2:
0x72: {  	[sflag:s18] =	ssyncadd.s32 $0xFFFF3800;
	s23 =	sshra.s32 s20, $0x2  }
0x73: {  	[tilespmem:s10], [sflag:$0x1] =	stream.indirect.gather [hbm4b:s3+s9], $0x40, s23, s9, $0xb8;
	[tilespmem:$0x1F400] =	vst v63  }
0x74: {  	s24 =	rddreg [dreg:$0x3];
	s25 =	sadd.s32 $0x68, s23  }
0x75: {  	[tilespmem:s24], [sflag:$0x1] =	stream.indirect.gather [hbm4b:s3+s11], $0x40, s25, s11, $0xb8;
	[tilespmem:$0x1F400] =	vst v63  }
0x76: {  	s26 =	rddreg [dreg:$0x4];
	s30 =	sadd.s32 $0xC8, s23  }
0x77: {  	[tilespmem:s26], [sflag:$0x1] =	stream.indirect.gather [hbm4b:s3+s9], $0x40, s30, s9, $0xb8;
	[tilespmem:$0x1F400] =	vst v63  }
0x78: {  	s31 =	rddreg [dreg:$0x5];
	s28 =	sadd.s32 $0x130, s23  }
0x79: {  	[tilespmem:s31], [sflag:$0x1] =	stream.indirect.gather [hbm4b:s3+s11], $0x40, s28, s11, $0xb8;
	[tilespmem:$0x1F400] =	vst v63  }
0x7a: {  	s29 =	rddreg [dreg:$0x6];
	s30 =	sadd.s32 $0x190, s23  }
0x7b: {  	[tilespmem:s29], [sflag:$0x1] =	stream.indirect.gather [hbm4b:s3+s9], $0x40, s30, s9, $0xb8;
	[tilespmem:$0x1F400] =	vst v63  }
0x7c: {  	s31 =	rddreg [dreg:$0x7];
	s28 =	sadd.s32 $0x1F8, s23  }
0x7d: {  	[tilespmem:s31], [sflag:$0x1] =	stream.indirect.gather [hbm4b:s3+s11], $0x40, s28, s11, $0xb8;
	[tilespmem:$0x1F400] =	vst v63  }
0x7e: {  	s29 =	rddreg [dreg:$0x8];
	s30 =	sadd.s32 $0x258, s23  }
0x7f: {  	[tilespmem:s29], [sflag:$0x1] =	stream.indirect.gather [hbm4b:s3+s9], $0x40, s30, s9, $0xb8;
	[tilespmem:$0x1F400] =	vst v63  }
0x80: {  	s26 =	sadd.s32 $0x2C0, s23;
	s31 =	rddreg [dreg:$0x9]  }
0x81: {  	[tilespmem:s31], [sflag:$0x1] =	stream.indirect.gather [hbm4b:s3+s11], $0x40, s26, s11, $0xb8;
	[tilespmem:$0x1F400] =	vst v63  }
0x82: {  	s28 =	sadd.s32 $0x320, s23  }
0x83: {  	[tilespmem:s12], [sflag:$0x2] =	stream.indirect.gather [hbm4b:s3+s9], $0x40, s28, s9, $0xb8;
	[tilespmem:$0x1F400] =	vst v63  }
0x84: {  	s29 =	rddreg [dreg:$0xa];
	s30 =	sadd.s32 $0x388, s23  }
0x85: {  	[tilespmem:s29], [sflag:$0x2] =	stream.indirect.gather [hbm4b:s3+s11], $0x40, s30, s11, $0xb8;
	[tilespmem:$0x1F400] =	vst v63  }
0x86: {  	s31 =	rddreg [dreg:$0xb];
	s28 =	sadd.s32 $0x3E8, s23  }
0x87: {  	[tilespmem:s31], [sflag:$0x2] =	stream.indirect.gather [hbm4b:s3+s9], $0x40, s28, s9, $0xb8;
	[tilespmem:$0x1F400] =	vst v63  }
0x88: {  	s29 =	rddreg [dreg:$0xc];
	s30 =	sadd.s32 $0x450, s23  }
0x89: {  	[tilespmem:s29], [sflag:$0x2] =	stream.indirect.gather [hbm4b:s3+s11], $0x40, s30, s11, $0xb8;
	[tilespmem:$0x1F400] =	vst v63  }
0x8a: {  	s31 =	rddreg [dreg:$0xd];
	s28 =	sadd.s32 $0x4B0, s23  }
0x8b: {  	[tilespmem:s31], [sflag:$0x2] =	stream.indirect.gather [hbm4b:s3+s9], $0x40, s28, s9, $0xb8;
	[tilespmem:$0x1F400] =	vst v63  }
0x8c: {  	s29 =	rddreg [dreg:$0xe];
	s30 =	sadd.s32 $0x518, s23  }
0x8d: {  	[tilespmem:s29], [sflag:$0x2] =	stream.indirect.gather [hbm4b:s3+s11], $0x40, s30, s11, $0xb8;
	[tilespmem:$0x1F400] =	vst v63  }
0x8e: {  	s31 =	sadd.s32 $0x578, s23  }
0x8f: {  	[tilespmem:s13], [sflag:$0x2] =	stream.indirect.gather [hbm4b:s3+s9], $0x40, s31, s9, $0xb8;
	[tilespmem:$0x1F400] =	vst v63  }
0x90: {  	s23 =	sadd.s32 $0x5E0, s23  }
0x91: {  	[tilespmem:s14], [sflag:$0x2] =	stream.indirect.gather [hbm4b:s3+s11], $0x40, s23, s11, $0xb8;
	[tilespmem:$0x1F400] =	vst v63  }
0x92: {  	_ =	swait.ge [sflag:s15], $0x1A00  }
0x93: {  	[sflag:s15] =	ssyncset.done $0x0  }
0x94: {  	[sflag:s15] =	ssyncadd.s32 $0xFFFFE600  }
0x95: {  	_ =	swait.ge [sflag:s15], $0x1800  }
0x96: {  	[sflag:s15] =	ssyncset.done $0x0  }
0x97: {  	[sflag:s15] =	ssyncadd.s32 $0xFFFFE800  }
0x98: {  	_ =	swait.ge [sflag:s15], $0x1A00  }
0x99: {  	[sflag:s15] =	ssyncset.done $0x0  }
0x9a: {  	[sflag:s15] =	ssyncadd.s32 $0xFFFFE600  }
0x9b: {  	_ =	swait.ge [sflag:s15], $0x1800  }
0x9c: {  	[sflag:s15] =	ssyncset.done $0x0  }
0x9d: {  	[sflag:s15] =	ssyncadd.s32 $0xFFFFE800  }
0x9e: {  	_ =	swait.ge [sflag:s15], $0x1A00  }
0x9f: {  	[sflag:s15] =	ssyncset.done $0x0  }
0xa0: {  	[sflag:s15] =	ssyncadd.s32 $0xFFFFE600  }
0xa1: {  	_ =	swait.ge [sflag:s15], $0x1800  }
0xa2: {  	[sflag:s15] =	ssyncset.done $0x0  }
0xa3: {  	[sflag:s15] =	ssyncadd.s32 $0xFFFFE800  }
0xa4: {  	_ =	swait.ge [sflag:s15], $0x1A00  }
0xa5: {  	[sflag:s15] =	ssyncset.done $0x0  }
0xa6: {  	[sflag:s15] =	ssyncadd.s32 $0xFFFFE600  }
0xa7: {  	_ =	swait.ge [sflag:s15], $0x1800  }
0xa8: {  	[sflag:s15] =	ssyncset.done $0x0  }
0xa9: {  	s22 =	sadd.s32 $0x3200, s22;
	[sflag:s15] =	ssyncadd.s32 $0xFFFFE800  }
0xaa: {  	[hbm4b:s22+s2] =	stream.linear.scatter [tilespmem:s10], [sflag:$0x3], $0xC800, $0x38;
	[tilespmem:$0x1F400] =	vst v63  }
0xab: {  	_ =	swait.ge [sflag:s16], $0x1A00  }
0xac: {  	[sflag:s16] =	ssyncset.done $0x0  }
0xad: {  	[sflag:s16] =	ssyncadd.s32 $0xFFFFE600  }
0xae: {  	_ =	swait.ge [sflag:s16], $0x1800  }
0xaf: {  	[sflag:s16] =	ssyncset.done $0x0  }
0xb0: {  	[sflag:s16] =	ssyncadd.s32 $0xFFFFE800  }
0xb1: {  	_ =	swait.ge [sflag:s16], $0x1A00  }
0xb2: {  	[sflag:s16] =	ssyncset.done $0x0  }
0xb3: {  	[sflag:s16] =	ssyncadd.s32 $0xFFFFE600  }
0xb4: {  	_ =	swait.ge [sflag:s16], $0x1800  }
0xb5: {  	[sflag:s16] =	ssyncset.done $0x0  }
0xb6: {  	[sflag:s16] =	ssyncadd.s32 $0xFFFFE800  }
0xb7: {  	_ =	swait.ge [sflag:s16], $0x1A00  }
0xb8: {  	[sflag:s16] =	ssyncset.done $0x0  }
0xb9: {  	[sflag:s16] =	ssyncadd.s32 $0xFFFFE600  }
0xba: {  	_ =	swait.ge [sflag:s16], $0x1800  }
0xbb: {  	[sflag:s16] =	ssyncset.done $0x0  }
0xbc: {  	[sflag:s16] =	ssyncadd.s32 $0xFFFFE800  }
0xbd: {  	_ =	swait.ge [sflag:s16], $0x1A00  }
0xbe: {  	[sflag:s16] =	ssyncset.done $0x0  }
0xbf: {  	[sflag:s16] =	ssyncadd.s32 $0xFFFFE600  }
0xc0: {  	_ =	swait.ge [sflag:s16], $0x1800  }
0xc1: {  	[sflag:s16] =	ssyncset.done $0x0  }
0xc2: {  	s21 =	sadd.s32 $0x3200, s21;
	p0 =	sne.s32 s20, $0x17700;
	[sflag:s16] =	ssyncadd.s32 $0xFFFFE800  }
0xc3: {  	[hbm4b:s21+s2] =	stream.linear.scatter [tilespmem:s12], [sflag:$0x4], $0xC800, $0x38;
	[tilespmem:$0x1F400] =	vst v63  }
.Ltmp0:
0xc4: {  	_ =	swait.ge [sflag:s17], $0xC800;
	(pc) =	sbr.rel @p0 .LBB2_2-.Ltmp0, $4  }
0xc5: {  	[sflag:s17] =	ssyncset.done $0x0  }
0xc6: {  	[sflag:s17] =	ssyncadd.s32 $0xFFFF3800  }
0xc7: {  	_ =	swait.ge [sflag:s18], $0xC800  }
0xc8: {  	s20 =	sadd.s32 $0x1900, s20;
	[sflag:s18] =	ssyncset.done $0x0  }
0xc9: {  	s19 =	sadd.s32 $0x1, s19  }
0xca: {  	p0 =	sne.s32 s19, s5  }
.Ltmp1:
0xcb: {  	_ = 	snop;
	(pc) =	sbr.rel @p0 .LBB2_1-.Ltmp1, $2  }
0xcc: {  	_ =	sdelay $0x2  }
0xcd: {  	[sflag:s18] =	ssyncadd.s32 $0xFFFF3800  }
0xce: {  	_ =	sfence.sel $0x180000  }
0xcf: {  	[bflag:$0x0] =	sbarrier.arrive $0xFFFF  }
0xd0: {  	p0 =	sne.s32 s0, $0x0;
	_ =	strace $0x90000047  }
0xd1: {  	s0 =	sadd.s32 @!p0 $0x100000, s1;
	[bflag:$0x2] =	sbarrier.arrive $0xFFFF  }
0xd2: {  	[sflag:s0] =	ssyncadd.tile.s32 @!p0 $0x1;
	_ =	shalt  }
.Lfunc_end2:
_tile_overlayer_lowered:
.L_overlay_start_2:
0xd3: {  	(tag) =	ssettag $0x2  }
0xd4: {  	s0 =	rddreg [dreg:$0x0];
	s2 =	stileid.u32  }
0xd5: {  	s1 =	rddreg [dreg:$0x1];
	p0 =	sne.s32 s2, $0x0  }
0xd6: {  	s3 =	rddreg [dreg:$0x2];
	[bflag:$0x3] =	sbarrier.arrive $0xFFFF;
	s2 =	simm.s32 @!p0 $0x1C05  }
0xd7: {  	[timem:s3], [sflag:s2] =	dma.local @!p0 [hbm:s0], s1  }
0xd8: {  	s0 =	simm.s32 @!p0 $0x5  }
0xd9: {  	_ =	swait.ge @!p0 [sflag:s0], s1  }
0xda: {  	s1 =	ssub.s32 @!p0 $0x0, s1;
	[sflag:s0] =	ssyncset.done @!p0 $0x0  }
0xdb: {  	[sflag:s0] =	ssyncadd.s32 @!p0 s1  }
0xdc: {  	[bflag:$0x3] =	sbarrier.arrive $0xFFFF  }
0xdd: {  	_ =	shalt  }

// kernel: sparse-core-data-format-call.cloned.1.call-start
scs
called_computation_lowered:
.L_overlay_start_0:
0x0: {  	s2 =	sld [smem:$0x3FD9]  }
0x1: {  	s3 =	sld [smem:$0x3FFE];
	_ =	sdelay $0x1  }
0x2: {  	s1 =	srdreg.scid  }
0x3: {  	s0 =	sand.u32 $0x1, s1  }
0x4: {  	s18 =	sshll.u32 s0, $0xA;
	s2 =	sadd.s32 s3, s2  }
0x5: {  	s2 =	sadd.s32 s2, s18  }
0x6: {  	[smem:$0x3FC6] =	sst s2  }
0x7: {  	_ = 	snop  }
0x8: {  	s2 =	sld [smem:$0x3FD0];
	(tm) =	ssettm $0x1  }
0x9: {  	s19 =	sld [smem:$0x3FFB];
	_ =	sdelay $0x3  }
0xa: {  	_ =	strace s19  }
0xb: {  	s3 =	sld [smem:$0x3FFC];
	_ =	sdelay $0x3  }
0xc: {  	_ =	strace s3  }
0xd: {  	s3 =	sld [smem:$0x3FFD];
	_ =	sdelay $0x3  }
0xe: {  	_ =	strace s3  }
0xf: {  	_ =	strace $0x8FFFFFFF  }
0x10: {  	s20 =	sld [smem:$0x3FDB];
	_ =	sdelay $0x1  }
0x11: {  	s4 =	simm.s32 $_scs_section_size  }
0x12: {  	s5 =	simm.s32 $_size__tile_overlayer_lowered;
	s6 =	simm.s32 $_tile_overlayer_lowered  }
0x13: {  	s23 =	simm.s32 $0x1BFF;
	s22 =	sshll.u32 s6, $0x1;
	s3 =	sadd.s32 s4, s20  }
0x14: {  	s7 =	simm.s32 $0x0;
	s21 =	sshll.u32 s5, $0x1;
	s5 =	sadd.s32 s22, s3  }
0x15: {  	[timem:s7], [sflag:s23] =	dma.local [hbm:s5], s21  }
0x16: {  	_ =	swait.ge [sflag:s23], s21  }
0x17: {  	s4 =	ssub.s32 $0x0, s21;
	[sflag:s23] =	ssyncset.done $0x0  }
0x18: {  	[sflag:s23] =	ssyncadd.s32 s4;
	_ =	sdelay $0x1  }
0x19: {  	s24 =	simm.s32 $0x1B8B  }
0x1a: {  	_ =	swait.ge [sflag:s24], $0x1  }
0x1b: {  	[sflag:s24] =	ssyncset.done $0x0  }
0x1c: {  	s26 =	simm.s32 $0x1B8E;
	s25 =	sld [smem:$0x3FFE];
	[sflag:s24] =	ssyncadd.s32 $0xFFFFFFFF  }
0x1d: {  	s27 =	simm.s32 $execute0_lowered;
	[smem:$0x3FD2] =	sst s26  }
0x1e: {  	s5 =	sshll.u32 s27, $0x1;
	_ =	strace $0x80000049;
	[dreg:$0x1] =	wrdreg $0xFFFFFFFF  }
0x1f: {  	s28 =	simm.s32 $_size_execute0_lowered;
	s3 =	sadd.s32 s3, s5;
	[dreg:$0x0] =	wrdreg $0x0  }
0x20: {  	s5 =	sshll.u32 s28, $0x1;
	[dreg:$0x2] =	wrdreg s3  }
0x21: {  	[dreg:$0x3] =	wrdreg s5  }
0x22: {  	[dreg:$0x4] =	wrdreg $0xC0  }
0x23: {  	_ =	task [dreg:s7], $0x5FFFF  }
0x24: {  	[dreg:$0x1] =	wrdreg $0xFFFFFFFF  }
0x25: {  	[dreg:$0x0] =	wrdreg $0x60  }
0x26: {  	[dreg:$0x2] =	wrdreg s25  }
0x27: {  	[dreg:$0x3] =	wrdreg s2  }
0x28: {  	[dreg:$0x4] =	wrdreg $0x9  }
0x29: {  	_ =	task.clear_ibuf [dreg:s7], $0x5FFFF;
	_ =	strace $0x90000049  }
0x2a: {  	s29 =	simm.s32 $0x9;
	_ =	strace $0x8000004B  }
0x2b: {  	_ =	swait.ge [sflag:s29], $0x1  }
0x2c: {  	[sflag:s29] =	ssyncadd.s32 $0xFFFFFFFF  }
0x2d: {  	_ =	strace $0x9000004B  }
0x2e: {  	_ =	sfence  }
0x2f: {  	s30 =	sld [smem:$0x0];
	_ =	sdelay $0x2  }
0x30: {  	s31 =	sshll.u32 s1, $0xD;
	s1 =	sshrl.u32 s1, $0x2  }
0x31: {  	s3 =	sand.u32 $0x4000, s31;
	s1 =	sadd.s32 s1, s30  }
0x32: {  	s0 =	sor.u32 s3, s0;
	s1 =	sshll.u32 s1, $0x11  }
0x33: {  	s0 =	sor.u32 s1, s0  }
0x34: {  	s0 =	sadd.s32 $0x8F2B, s0  }
0x35: {  	[sflag:s0] =	ssyncadd.remote.s32 $0x1  }
0x36: {  	_ =	sfence.sel $0xFFFF  }
0x37: {  	[dreg:$0x0] =	wrdreg $0xFFFFFFFF;
	(pc) =	sbr.abs _section_cstart, $3  }
0x38: {  	[dreg:$0x1] =	wrdreg $0xFFFFFFFF  }
0x39: {  	_ =	task.clear_ibuf [dreg:s7], $0x2FFFF;
	_ =	strace $0x9FFFFFFF  }
0x3a: {  	(tm) =	ssettm $0x7FFFFFFF  }
0x3b: {  	_ =	shalt  }
tec
execute0_lowered:
.L_overlay_start_1:
0x0: {  	(tag) =	ssettag $0x1  }
0x1: {  	s0 =	srdreg.scid  }
0x2: {  	s1 =	sshll.u32 s0, $0x4  }
0x3: {  	s0 =	stileid.u32;
	s1 =	sand.u32 $0x10, s1  }
0x4: {  	s1 =	sor.u32 s0, s1  }
0x5: {  	s6 =	rddreg [dreg:$0x0];
	s4 =	simm.s32 $0x1;
	s2 =	sshll.u32 s1, $0x7  }
0x6: {  	s7 =	simm.s32 $0x2;
	s12 =	simm.s32 $0x0;
	s1 =	ssub.s32 $0x1000, s2  }
0x7: {  	s8 =	simm.s32 $0x8000;
	s13 =	simm.s32 $0x0;
	s3 =	sand.u32 $0xF80, s1  }
0x8: {  	s9 =	simm.s32 $0x0;
	s5 =	sshrl.u32 s1, $0xC;
	p0 =	sne.s32 s3, $0x0  }
.Ltmp0:
0x9: {  	s1 =	rddreg [dreg:$0x2];
	s4 =	simm.s32 @!p0 $0x0;
	(pc) =	sbr.rel .LBB1_1-.Ltmp0, $4  }
0xa: {  	s11 =	simm.s32 $0x0;
	s3 =	rddreg [dreg:$0x1];
	s5 =	sadd.s32 s4, s5  }
0xb: {  	_ =	strace $0x8000004A;
	s4 =	simm.s32 $0x1;
	s5 =	smul.u32 $0xC8, s5  }
0xc: {  	s6 =	sadd.s32 $0xA00, s6;
	s10 =	smov.u32 s2;
	[sflag:s4] =	ssyncpa.u1 $0x0  }
0xd: {  	p0 =	por $0x0, $0x0;
	[sflag:s7] =	ssyncpa.u1 $0x0;
	s7 =	sor.u32 $0x1, s5  }
.LBB1_4:
0xe: {  	s16 =	sshll.u32 s13, $0x3;
	s17 =	sand.u32 $0x78, s13  }
0xf: {  	s30 =	sand.u32 $0x7E00, s13;
	s12 =	sshll.u32 s12, $0xF;
	s16 =	sand.u32 $0xC00, s16  }
0x10: {  	[tilespmem:s15+$0x810 ss:$0x81] =	vst.msk $0xffff, v2;
	s31 =	sand.u32 $0x7, s13;
	s16 =	sor.u32 s17, s16;
	s17 =	sadd.s32 s3, s30  }
0x11: {  	[tilespmem:s15+$0x1020 ss:$0x81] =	vst.msk $0xffff, v0;
	s13 =	sshll.u32 s31, $0x12;
	s12 =	sadd.s32 s12, s17;
	s16 =	sshrl.u32 s16, $0x3  }
0x12: {  	[tilespmem:s15+$0x0 ss:$0x81] =	vst.msk $0xffff, v1;
	s13 =	sor.u32 $0x400, s13;
	s12 =	sadd.s32 s16, s12  }
0x13: {  	[hbm4b:s12+s13] =	stream.strided.scatter [tilespmem:s14], [sflag:$0x2], $0x2000, s8, s13, $0x20;
	[tilespmem:$0x8080] =	vst v63  }
.LBB1_5:
0x14: {  	s14 =	sadd.s32 $0x1, s9  }
0x15: {  	s12 =	sadd.s32 $0x1000, s10;
	s16 =	smov.u32 s10;
	p2 =	sgt.s32 s14, $0xC7  }
0x16: {  	s16 =	smov.u32 @p2 s12  }
0x17: {  	s14 =	simm.s32 @p2 $0x0;
	p2 =	sgt.s32 s16, $0xFFF  }
0x18: {  	s16 =	smov.u32 @p2 s2;
	p2 =	sne.s32 s11, s7  }
.Ltmp1:
0x19: {  	p1 =	slt.u32 s11, $0x2;
	(pc) =	sbr.rel @!p2 .LBB1_6-.Ltmp1, $4  }
0x1a: {  	s15 =	simm.s32 @!p1 $0x2  }
0x1b: {  	s13 =	smov.u32 s10;
	p0 =	por !p0, !p0;
	_ =	swait.ge @!p1 [sflag:s15], $0x2000  }
0x1c: {  	s12 =	smov.u32 s9;
	[sflag:s15] =	ssyncset.done @!p1 $0x0;
	s9 =	smov.u32 s14  }
0x1d: {  	s11 =	sadd.s32 $0x1, s11;
	[sflag:s15] =	ssyncadd.s32 @!p1 $0xFFFFE000;
	s10 =	smov.u32 s16  }
.LBB1_1:
0x1e: {  	p1 =	sge.u32 s11, s5  }
0x1f: {  	s14 =	sand.u32 @!p1 $0x1FFFFFF, s9  }
0x20: {  	s15 =	smulhi.u32 @!p1 $0x147AE15, s14;
	_ =	sdelay $0x1  }
0x21: {  	s15 =	smul.u32 @!p1 $0xC8, s15  }
0x22: {  	s16 =	sxor.u32 @!p1 $0xFFFFFFFF, s11;
	s17 =	smul.u32 @!p1 $0xC80, s10  }
0x23: {  	s31 =	sadd.s32 $0xFFFFFFFF, s11;
	s16 =	sshll.u32 @!p1 s16, $0xD;
	s14 =	ssub.s32 @!p1 s14, s15  }
0x24: {  	s15 =	sand.u32 @!p1 $0x2000, s16;
	s16 =	sadd.s32 @!p1 s6, s17;
	s14 =	sshll.u32 @!p1 s14, $0x4  }
0x25: {  	s17 =	simm.s32 @!p1 $0x6400;
	s14 =	sadd.s32 @!p1 s14, s16;
	s16 =	simm.s32 @!p1 $0x40  }
0x26: {  	[tilespmem:s15], [sflag:$0x1] =	stream.strided.gather @!p1 [hbm4b:s14+s16], $0x2000, s17, s16, $0x38;
	[tilespmem:$0x8080] =	vst v63  }
0x27: {  	p1 =	sge.u32 s31, s5  }
.Ltmp2:
0x28: {  	_ = 	snop;
	(pc) =	sbr.rel @p1 .LBB1_5-.Ltmp2, $1  }
0x29: {  	_ =	sdelay $0x3  }
0x2a: {  	s14 =	simm.s32 $0x1  }
0x2b: {  	_ =	swait.ge [sflag:s4], $0x2000;
	s14 =	simm.s32 @!p0 $0x0  }
0x2c: {  	[sflag:s4] =	ssyncset.done $0x0;
	s15 =	sshll.u32 s14, $0xD  }
0x2d: {  	[sflag:s4] =	ssyncadd.s32 $0xFFFFE000;
	s18 =	sor.u32 $0x20, s15  }
0x2e: {  	s14 =	smul.u32 $0x8100, s14;
	v3 =	vld [tilespmem:s18+$0x10]  }
0x2f: {  	s30 =	sand.u32 $0x1, s11;
	v2 =	vld [tilespmem:s18+$0xFFFFFFF0]  }
0x30: {  	s15 =	smul.u32 $0x8100, s30;
	s14 =	sshrl.u32 s14, $0x2;
	v0 =	vld [tilespmem:s18+$0x0]  }
0x31: {  	v1 =	vld [tilespmem:s18+$0xFFFFFFE0];
	s16 =	sor.u32 $0x4000, s14  }
0x32: {  	s31 =	sshrl.u32 s15, $0x2;
	s15 =	sadd.s32 $0x0, s16  }
0x33: {  	s17 =	simm.s32 $0x4;
	s18 =	sadd.s32 $0x40, s18;
	s14 =	sor.u32 $0x4000, s31;
	[tilespmem:s15+$0x1830 ss:$0x81] =	vst.msk $0xffff, v3  }
.LBB1_3:
0x34: {  	v3 =	vld [tilespmem:s18+$0x10];
	p1 =	sne.s32 s17, $0x1FC;
	[tilespmem:s15+$0x810 ss:$0x81] =	vst.msk $0xffff, v2;
	s19 =	smov.u32 s17;
	s17 =	sadd.s32 $0x4, s17  }
.Ltmp3:
0x35: {  	v2 =	vld [tilespmem:s18+$0xFFFFFFF0];
	[tilespmem:s15+$0x1020 ss:$0x81] =	vst.msk $0xffff, v0;
	(pc) =	sbr.rel @p1 .LBB1_3-.Ltmp3, $4  }
0x36: {  	v0 =	vld [tilespmem:s18+$0x0];
	[tilespmem:s15+$0x0 ss:$0x81] =	vst.msk $0xffff, v1  }
0x37: {  	s15 =	sshra.s32 s19, $0x2;
	v1 =	vld [tilespmem:s18+$0xFFFFFFE0]  }
0x38: {  	s15 =	sadd.s32 s15, s16  }
0x39: {  	s18 =	sadd.s32 $0x40, s18;
	[tilespmem:s15+$0x1830 ss:$0x81] =	vst.msk $0xffff, v3  }
.Ltmp4:
0x3a: {  	_ = 	snop;
	(pc) =	sbr.rel .LBB1_4-.Ltmp4, $1  }
0x3b: {  	_ =	sdelay $0x3  }
.LBB1_6:
0x3c: {  	_ =	sfence.sel $0x180000  }
0x3d: {  	s2 =	simm.s32 $0x1;
	[bflag:$0x0] =	sbarrier.arrive $0xFFFF  }
0x3e: {  	s31 =	simm.s32 $0x2;
	[sflag:s2] =	ssyncpa.u1 $0x1  }
0x3f: {  	[sflag:s31] =	ssyncpa.u1 $0x1  }
0x40: {  	p0 =	sne.s32 s0, $0x0;
	_ =	strace $0x9000004A  }
0x41: {  	s0 =	sadd.s32 @!p0 $0x100000, s1;
	[bflag:$0x2] =	sbarrier.arrive $0xFFFF  }
0x42: {  	[sflag:s0] =	ssyncadd.tile.s32 @!p0 $0x1;
	_ =	shalt  }
.Lfunc_end1:
_tile_overlayer_lowered:
.L_overlay_start_2:
0x43: {  	(tag) =	ssettag $0x2  }
0x44: {  	s0 =	rddreg [dreg:$0x0];
	s2 =	stileid.u32  }
0x45: {  	s1 =	rddreg [dreg:$0x1];
	p0 =	sne.s32 s2, $0x0  }
0x46: {  	s3 =	rddreg [dreg:$0x2];
	[bflag:$0x3] =	sbarrier.arrive $0xFFFF;
	s2 =	simm.s32 @!p0 $0x1C01  }
0x47: {  	[timem:s3], [sflag:s2] =	dma.local @!p0 [hbm:s0], s1  }
0x48: {  	s0 =	simm.s32 @!p0 $0x1  }
0x49: {  	_ =	swait.ge @!p0 [sflag:s0], s1  }
0x4a: {  	s1 =	ssub.s32 @!p0 $0x0, s1;
	[sflag:s0] =	ssyncset.done @!p0 $0x0  }
0x4b: {  	[sflag:s0] =	ssyncadd.s32 @!p0 s1  }
0x4c: {  	[bflag:$0x3] =	sbarrier.arrive $0xFFFF  }
0x4d: {  	_ =	shalt  }

</sc_bundles>
